<compile_context>
chip_gen: v7x
topology: tpu7x:2x2x1
jax: 0.10.2.dev20260603
libtpu: 0.0.44.dev20260713+nightly
codegen_flags: <defaults>
</compile_context>

<pallas_src>
import functools

import jax
import jax.numpy as jnp
import numpy as np
from jax import lax
from jax.experimental import pallas as pl
from jax.experimental.pallas import tpu as pltpu
from jax.experimental.pallas import tpu_sc as plsc

_NC = 2
_NS = 16
_NW = _NC * _NS
_LANES = 16

_SELU_ALPHA = 1.6732632423543772
_SELU_SCALE = 1.0507009873554805



def _sc_mesh():
    return plsc.VectorSubcoreMesh(core_axis_name="c", subcore_axis_name="s")


def _pack_bf16_pair(lo_f32, hi_f32):
    one = jnp.uint32(1)
    h7fff = jnp.uint32(0x7FFF)
    s16 = jnp.uint32(16)
    lo_b = lax.bitcast_convert_type(lo_f32, jnp.uint32)
    hi_b = lax.bitcast_convert_type(hi_f32, jnp.uint32)
    lo_r = (lo_b + h7fff + ((lo_b >> s16) & one)) >> s16
    hi_r = (hi_b + h7fff + ((hi_b >> s16) & one)) >> s16
    word = (hi_r << s16) | lo_r
    return lax.bitcast_convert_type(word, jnp.int32)


def _deg_partials(row, col, ew, n_pad):
    e = col.shape[0]
    epw = e // _NW

    @functools.partial(
        pl.kernel,
        out_type=(
            jax.ShapeDtypeStruct((_NW, n_pad), jnp.float32),
            jax.ShapeDtypeStruct((e,), jnp.int32),
        ),
        mesh=_sc_mesh(),
        compiler_params=pltpu.CompilerParams(needs_layout_passes=False),
        scratch_types=[
            pltpu.VMEM((epw,), jnp.int32),
            pltpu.VMEM((epw,), jnp.int32),
            pltpu.VMEM((epw,), jnp.float32),
            pltpu.VMEM((epw,), jnp.int32),
            pltpu.VMEM((n_pad,), jnp.float32),
            pltpu.SemaphoreType.DMA,
        ],
    )
    def deg_kernel(row_hbm, col_hbm, ew_hbm, parts_hbm, rc_hbm,
                   row_v, col_v, ew_v, rc_v, acc_v, sem):
        wid = lax.axis_index("s") * _NC + lax.axis_index("c")
        base = wid * epw
        pltpu.async_copy(row_hbm.at[pl.ds(base, epw)], row_v, sem)
        pltpu.async_copy(col_hbm.at[pl.ds(base, epw)], col_v, sem)
        pltpu.async_copy(ew_hbm.at[pl.ds(base, epw)], ew_v, sem)

        zeros = jnp.zeros((_LANES,), jnp.float32)

        def zbody(i, carry):
            acc_v[pl.ds(i * _LANES, _LANES)] = zeros
            return carry

        lax.fori_loop(0, n_pad // _LANES, zbody, 0)
        pltpu.make_async_copy(row_hbm.at[pl.ds(base, epw)], row_v, sem).wait()
        pltpu.make_async_copy(col_hbm.at[pl.ds(base, epw)], col_v, sem).wait()
        pltpu.make_async_copy(ew_hbm.at[pl.ds(base, epw)], ew_v, sem).wait()

        s16 = jnp.int32(16)

        def body(i, carry):
            sl = pl.ds(i * _LANES, _LANES)
            c = col_v[sl]
            w = ew_v[sl]
            plsc.addupdate_scatter(acc_v, [c], w)
            r = row_v[sl]
            rc_v[sl] = r | lax.shift_left(c, s16)
            return carry

        lax.fori_loop(0, epw // _LANES, body, 0)
        pltpu.sync_copy(acc_v, parts_hbm.at[wid])
        pltpu.sync_copy(rc_v, rc_hbm.at[pl.ds(base, epw)])

    return deg_kernel(row, col, ew)


def _edge_aggregate(gp, rc, ew, n_pad, feats):
    e = rc.shape[0]
    nhalf = 2
    ppw = 2
    ehalf_sz = e // nhalf
    eb = 8000
    nblk = ehalf_sz // eb
    npair = nblk // 2
    unroll = 2

    @functools.partial(
        pl.kernel,
        out_type=jax.ShapeDtypeStruct((nhalf, feats, n_pad), jnp.float32),
        mesh=_sc_mesh(),
        compiler_params=pltpu.CompilerParams(needs_layout_passes=False),
        scratch_types=(
            [pltpu.VMEM((n_pad,), jnp.int32) for _ in range(ppw)]
            + [pltpu.VMEM((n_pad,), jnp.float32) for _ in range(2 * ppw)]
            + [
                pltpu.VMEM((eb,), jnp.int32),
                pltpu.VMEM((eb,), jnp.float32),
                pltpu.VMEM((eb,), jnp.int32),
                pltpu.VMEM((eb,), jnp.float32),
                pltpu.SemaphoreType.DMA,
                pltpu.SemaphoreType.DMA,
                pltpu.SemaphoreType.DMA,
            ]
        ),
    )
    def msg_kernel(gp_hbm, rc_hbm, ew_hbm, out_hbm, *scratch):
        gp_vs = scratch[:ppw]
        acc_vs = scratch[ppw:3 * ppw]
        b0 = scratch[3 * ppw:3 * ppw + 2] + (scratch[3 * ppw + 4],)
        b1 = scratch[3 * ppw + 2:3 * ppw + 4] + (scratch[3 * ppw + 5],)
        gsem = scratch[3 * ppw + 6]
        bufs = (b0, b1)
        wid = lax.axis_index("s") * _NC + lax.axis_index("c")
        ehalf = wid % nhalf
        pbase = (wid // nhalf) * ppw
        ebase0 = ehalf * ehalf_sz
        for p in range(ppw):
            pltpu.async_copy(gp_hbm.at[pbase + p], gp_vs[p], gsem)

        zeros = jnp.zeros((_LANES,), jnp.float32)

        def zbody(i, carry):
            for a in range(2 * ppw):
                acc_vs[a][pl.ds(i * _LANES, _LANES)] = zeros
            return carry

        lax.fori_loop(0, n_pad // _LANES, zbody, 0)
        for p in range(ppw):
            pltpu.make_async_copy(gp_hbm.at[pbase + p], gp_vs[p], gsem).wait()

        def start(slot, b):
            rcv, wv, sem = bufs[slot]
            ebase = ebase0 + b * eb
            pltpu.async_copy(rc_hbm.at[pl.ds(ebase, eb)], rcv, sem)
            pltpu.async_copy(ew_hbm.at[pl.ds(ebase, eb)], wv, sem)

        def wait(slot):
            rcv, wv, sem = bufs[slot]
            pltpu.make_async_copy(rc_hbm.at[pl.ds(0, eb)], rcv, sem).wait()
            pltpu.make_async_copy(ew_hbm.at[pl.ds(0, eb)], wv, sem).wait()

        mask16 = jnp.int32(0xFFFF)
        maskhi = jnp.int32(-65536)
        s16 = jnp.int32(16)

        def process(slot):
            rcv, wv, _ = bufs[slot]

            @plsc.parallel_loop(0, eb // _LANES, 1, unroll=unroll)
            def _chunks(i):
                sl = pl.ds(i * _LANES, _LANES)
                v_rc = rcv[sl]
                w = wv[sl]
                r = v_rc & mask16
                c = lax.shift_right_logical(v_rc, s16)
                for p in range(ppw):
                    vp = plsc.load_gather(gp_vs[p], [r])
                    lo = plsc.bitcast(lax.shift_left(vp, s16), jnp.float32)
                    hi = plsc.bitcast(vp & maskhi, jnp.float32)
                    plsc.addupdate_scatter(acc_vs[2 * p], [c], lo * w)
                    plsc.addupdate_scatter(acc_vs[2 * p + 1], [c], hi * w)

        start(0, 0)

        def pair(i, carry):
            start(1, 2 * i + 1)
            wait(0)
            process(0)

            @pl.when(i < npair - 1)
            def _():
                start(0, 2 * i + 2)

            wait(1)
            process(1)
            return carry

        lax.fori_loop(0, npair, pair, 0)
        half = feats // 2
        for p in range(ppw):
            pltpu.async_copy(acc_vs[2 * p], out_hbm.at[ehalf, pbase + p], gsem)
            pltpu.async_copy(acc_vs[2 * p + 1],
                             out_hbm.at[ehalf, half + pbase + p], gsem)
        for p in range(ppw):
            pltpu.make_async_copy(acc_vs[2 * p],
                                  out_hbm.at[ehalf, pbase + p], gsem).wait()
            pltpu.make_async_copy(acc_vs[2 * p + 1],
                                  out_hbm.at[ehalf, half + pbase + p],
                                  gsem).wait()

    return msg_kernel(gp, rc, ew)


def _embed_and_g1(x, w0_t, b0c, w1_e, w1_o, parts, n_pad):
    bn = 1280
    grid = n_pad // bn
    emb = w0_t.shape[0]
    half = w1_e.shape[0]
    in_ch = x.shape[1]
    nw = parts.shape[0]

    def body(x_ref, w0_ref, b0_ref, w1e_ref, w1o_ref, p_ref,
             dis_ref, g_ref, gp_ref):
        deg = jnp.sum(p_ref[...], axis=0, keepdims=True) + 1.0
        dis = lax.rsqrt(deg)
        dis_ref[...] = dis
        h = jnp.dot(w0_ref[...], x_ref[...].T,
                    preferred_element_type=jnp.float32)
        h = h + b0_ref[...]
        h = _SELU_SCALE * jnp.where(h > 0, h, _SELU_ALPHA * (jnp.exp(h) - 1.0))
        ge = jnp.dot(w1e_ref[...], h, preferred_element_type=jnp.float32) * dis
        go = jnp.dot(w1o_ref[...], h, preferred_element_type=jnp.float32) * dis
        g_ref[...] = jnp.concatenate([ge, go], axis=0)
        gp_ref[...] = _pack_bf16_pair(ge, go)

    return pl.pallas_call(
        body,
        grid=(grid,),
        in_specs=[
            pl.BlockSpec((bn, in_ch), lambda i: (i, 0)),
            pl.BlockSpec((emb, in_ch), lambda i: (0, 0)),
            pl.BlockSpec((emb, 1), lambda i: (0, 0)),
            pl.BlockSpec((half, emb), lambda i: (0, 0)),
            pl.BlockSpec((half, emb), lambda i: (0, 0)),
            pl.BlockSpec((nw, bn), lambda i: (0, i)),
        ],
        out_specs=(
            pl.BlockSpec((1, bn), lambda i: (0, i)),
            pl.BlockSpec((2 * half, bn), lambda i: (0, i)),
            pl.BlockSpec((half, bn), lambda i: (0, i)),
        ),
        out_shape=(
            jax.ShapeDtypeStruct((1, n_pad), jnp.float32),
            jax.ShapeDtypeStruct((2 * half, n_pad), jnp.float32),
            jax.ShapeDtypeStruct((half, n_pad), jnp.int32),
        ),
    )(x, w0_t, b0c, w1_e, w1_o, parts)


def _conv1_epilogue(s1, g1p, dis, w2_e, w2_o, b1c):
    feats, n_pad = g1p.shape
    half = feats // 2

    def body(s_ref, g_ref, d_ref, w2e_ref, w2o_ref, b1_ref,
             g2_ref, gp2_ref):
        d = d_ref[...]
        s = s_ref[0] + s_ref[1]
        out1 = d * (s + g_ref[...]) + b1_ref[...]
        he = jnp.dot(w2e_ref[...], out1, preferred_element_type=jnp.float32) * d
        ho = jnp.dot(w2o_ref[...], out1, preferred_element_type=jnp.float32) * d
        g2_ref[...] = jnp.concatenate([he, ho], axis=0)
        gp2_ref[...] = _pack_bf16_pair(he, ho)

    return pl.pallas_call(
        body,
        out_shape=(
            jax.ShapeDtypeStruct((feats, n_pad), jnp.float32),
            jax.ShapeDtypeStruct((half, n_pad), jnp.int32),
        ),
    )(s1, g1p, dis, w2_e, w2_o, b1c)


def _conv2_softmax(s2, g2p, dis, b2c, n):
    feats, n_pad = g2p.shape
    bn = 2560
    grid = n_pad // bn

    def body(s_ref, g_ref, d_ref, b2_ref, out_ref):
        o = d_ref[...] * (s_ref[0] + s_ref[1] + g_ref[...]) + b2_ref[...]
        m = jnp.max(o, axis=0, keepdims=True)
        ex = jnp.exp(o - m)
        sm = ex / jnp.sum(ex, axis=0, keepdims=True)
        out_ref[...] = sm.T

    out = pl.pallas_call(
        body,
        grid=(grid,),
        in_specs=[
            pl.BlockSpec((2, feats, bn), lambda i: (0, 0, i)),
            pl.BlockSpec((feats, bn), lambda i: (0, i)),
            pl.BlockSpec((1, bn), lambda i: (0, i)),
            pl.BlockSpec((feats, 1), lambda i: (0, 0)),
        ],
        out_specs=pl.BlockSpec((bn, feats), lambda i: (i, 0)),
        out_shape=jax.ShapeDtypeStruct((n_pad, feats), jnp.float32),
    )(s2, g2p, dis, b2c)
    return out[:n]


def kernel(x, edge_index, edge_attr, W0, b0, W1, b1, W2, b2):
    n = x.shape[0]
    n_pad = 10240
    feats = W1.shape[1]

    row = edge_index[0]
    col = edge_index[1]
    ew = edge_attr

    w0_t = W0.T
    w1_t = W1.T
    w2_t = W2.T
    half = feats // 2
    w1_e = w1_t[:half]
    w1_o = w1_t[half:]
    w2_e = w2_t[:half]
    w2_o = w2_t[half:]
    b0c = b0[:, None]
    b1c = b1[:, None]
    b2c = b2[:, None]

    parts, rc = _deg_partials(row, col, ew, n_pad)
    dis, g1p, gp1 = _embed_and_g1(x, w0_t, b0c, w1_e, w1_o, parts, n_pad)
    s1 = _edge_aggregate(gp1, rc, ew, n_pad, feats)
    g2p, gp2 = _conv1_epilogue(s1, g1p, dis, w2_e, w2_o, b1c)
    s2 = _edge_aggregate(gp2, rc, ew, n_pad, feats)
    out = _conv2_softmax(s2, g2p, dis, b2c, n)

    return out

# --- scband reference (transcript-rebuilt; emitter-appended) ---
"""Pipeline reference for scband-egcn-19748259627190 (READ-ONLY COPY).

The authoritative reference and input builder live on the scoring server;
editing this copy changes nothing except your own understanding.
"""

import jax, jax.numpy as jnp
import numpy as np

N = 10000
E = 320000
IN_CH = 128
EMB = 1000
HID = 64
OUT = 64


def setup_inputs(seed: int = 0) -> dict:
    key = jax.random.key(seed)
    ks = jax.random.split(key, 8)
    x = jax.random.normal(ks[0], (N, IN_CH), dtype=jnp.float32)
    edge_index = jax.random.randint(ks[1], (2, E), 0, N, dtype=jnp.int32)
    edge_attr = jax.random.uniform(ks[2], (E,), dtype=jnp.float32)
    W0 = jax.random.normal(ks[3], (IN_CH, EMB), dtype=jnp.float32) * 0.05
    b0 = jnp.zeros((EMB,), dtype=jnp.float32)
    W1 = jax.random.normal(ks[4], (EMB, HID), dtype=jnp.float32) * 0.05
    b1 = jnp.zeros((HID,), dtype=jnp.float32)
    W2 = jax.random.normal(ks[5], (HID, OUT), dtype=jnp.float32) * 0.05
    b2 = jnp.zeros((OUT,), dtype=jnp.float32)
    return {"x": x, "edge_index": edge_index, "edge_attr": edge_attr,
            "W0": W0, "b0": b0, "W1": W1, "b1": b1, "W2": W2, "b2": b2}


def _gcn_conv(x, edge_index, edge_weight, W, b):
    # PyG GCNConv with add_self_loops=True, symmetric normalization, bias after aggregation.
    n = x.shape[0]
    h = x @ W
    row = edge_index[0]
    col = edge_index[1]
    loop = jnp.arange(n, dtype=edge_index.dtype)
    row = jnp.concatenate([row, loop])
    col = jnp.concatenate([col, loop])
    ew = jnp.concatenate([edge_weight, jnp.ones((n,), dtype=edge_weight.dtype)])
    deg = jnp.zeros((n,), dtype=h.dtype).at[col].add(ew)
    deg_safe = jnp.where(deg > 0, deg, 1.0)
    dis = jnp.where(deg > 0, 1.0 / jnp.sqrt(deg_safe), 0.0)
    norm = dis[row] * ew * dis[col]
    msg = h[row] * norm[:, None]
    out = jnp.zeros_like(h).at[col].add(msg)
    return out + b


def reference(x, edge_index, edge_attr, W0, b0, W1, b1, W2, b2):
    # Linear embedding + SELU (dropout is identity in eval mode)
    h = jax.nn.selu(x @ W0 + b0)
    h = _gcn_conv(h, edge_index, edge_attr, W1, b1)
    h = _gcn_conv(h, edge_index, edge_attr, W2, b2)
    return jax.nn.softmax(h, axis=-1)

if __name__ == "__main__":
    import jax
    _d = setup_inputs()
    print(jax.jit(kernel)(*tuple(_d.values())))

</pallas_src>

<mosaic_0001>
#map = affine_map<(d0, d1) -> (0)>
#map1 = affine_map<(d0, d1) -> (0, 0)>
module attributes {stable_mosaic.version = 14 : i64} {
  func.func @deg_kernel(%arg0: i32, %arg1: i32, %arg2: memref<320000xi32, #tpu.memory_space<hbm>>, %arg3: memref<320000xi32, #tpu.memory_space<hbm>>, %arg4: memref<320000xf32, #tpu.memory_space<hbm>>, %arg5: memref<32x10240xf32, #tpu.memory_space<hbm>>, %arg6: memref<320000xi32, #tpu.memory_space<hbm>>, %arg7: memref<10000xi32, #tpu.memory_space<vmem>>, %arg8: memref<10000xi32, #tpu.memory_space<vmem>>, %arg9: memref<10000xf32, #tpu.memory_space<vmem>>, %arg10: memref<10000xi32, #tpu.memory_space<vmem>>, %arg11: memref<10240xf32, #tpu.memory_space<vmem>>, %arg12: memref<!tpu.dma_semaphore, #tpu.memory_space<semaphore_mem>>) attributes {dimension_semantics = [#tpu.dimension_semantics<core_parallel>, #tpu.dimension_semantics<subcore_parallel>], iteration_bounds = array<i64: 2, 16>, scalar_prefetch = 0 : i64, scratch_operands = 6 : i64, tpu.core_type = #tpu.core_type<sc_vector_subcore>, window_params = [{transform_indices = #map}, {transform_indices = #map}, {transform_indices = #map}, {transform_indices = #map1}, {transform_indices = #map}]} {
    %mul3A = arith.constant 2 : i32
    %mul3A_0 = arith.muli %arg1, %mul3A : i32
    %add3A = arith.addi %mul3A_0, %arg0 : i32
    %mul3A_1 = arith.constant 10000 : i32
    %mul3A_2 = arith.muli %add3A, %mul3A_1 : i32
    %dma_start3A = tpu.memref_slice %arg2[%mul3A_2] : memref<320000xi32, #tpu.memory_space<hbm>> -> memref<10000xi32, #tpu.memory_space<hbm>>
    %dma_start3A_3 = tpu.memref_slice %arg2[%mul3A_2] : memref<320000xi32, #tpu.memory_space<hbm>> -> memref<10000xi32, #tpu.memory_space<hbm>>
    tpu.enqueue_dma source(%dma_start3A_3 : memref<10000xi32, #tpu.memory_space<hbm>>) target(%arg7 : memref<10000xi32, #tpu.memory_space<vmem>>) target_semaphore(%arg12 : memref<!tpu.dma_semaphore, #tpu.memory_space<semaphore_mem>>)
    %dma_start3A_4 = tpu.memref_slice %arg3[%mul3A_2] : memref<320000xi32, #tpu.memory_space<hbm>> -> memref<10000xi32, #tpu.memory_space<hbm>>
    %dma_start3A_5 = tpu.memref_slice %arg3[%mul3A_2] : memref<320000xi32, #tpu.memory_space<hbm>> -> memref<10000xi32, #tpu.memory_space<hbm>>
    tpu.enqueue_dma source(%dma_start3A_5 : memref<10000xi32, #tpu.memory_space<hbm>>) target(%arg8 : memref<10000xi32, #tpu.memory_space<vmem>>) target_semaphore(%arg12 : memref<!tpu.dma_semaphore, #tpu.memory_space<semaphore_mem>>)
    %dma_start3A_6 = tpu.memref_slice %arg4[%mul3A_2] : memref<320000xf32, #tpu.memory_space<hbm>> -> memref<10000xf32, #tpu.memory_space<hbm>>
    %dma_start3A_7 = tpu.memref_slice %arg4[%mul3A_2] : memref<320000xf32, #tpu.memory_space<hbm>> -> memref<10000xf32, #tpu.memory_space<hbm>>
    tpu.enqueue_dma source(%dma_start3A_7 : memref<10000xf32, #tpu.memory_space<hbm>>) target(%arg9 : memref<10000xf32, #tpu.memory_space<vmem>>) target_semaphore(%arg12 : memref<!tpu.dma_semaphore, #tpu.memory_space<semaphore_mem>>)
    %broadcast_in_dim3A = arith.constant 0.000000e+00 : f32
    %broadcast_in_dim3A_8 = vector.broadcast %broadcast_in_dim3A : f32 to vector<16xf32>
    %scan3A = arith.constant 0 : i32
    %scan3A_9 = arith.constant 0 : i32
    %scan3A_10 = arith.constant 640 : i32
    %scan3A_11 = arith.addi %scan3A_9, %scan3A_10 : i32
    %scan3A_12 = arith.constant 1 : i32
    scf.for %scan3A_26 = %scan3A_9 to %scan3A_11 step %scan3A_12  : i32 {
      %mul3A_27 = arith.constant 16 : i32
      %mul3A_28 = arith.muli %scan3A_26, %mul3A_27 : i32
      %swap3A = arith.index_cast %mul3A_28 : i32 to index
      %swap3A_29 = tpu.vector_load %arg11[%swap3A] {strides = array<i32>} : memref<10240xf32, #tpu.memory_space<vmem>>, vector<16xf32>,
      tpu.vector_store %arg11[%swap3A], %broadcast_in_dim3A_8 {strides = array<i32>} : memref<10240xf32, #tpu.memory_space<vmem>>, vector<16xf32>,
    }
    %scan3A_13 = arith.constant 640 : i32
    %dma_wait3A = tpu.memref_slice %arg2[%mul3A_2] : memref<320000xi32, #tpu.memory_space<hbm>> -> memref<10000xi32, #tpu.memory_space<hbm>>
    %dma_wait3A_14 = tpu.memref_slice %arg2[%mul3A_2] : memref<320000xi32, #tpu.memory_space<hbm>> -> memref<10000xi32, #tpu.memory_space<hbm>>
    tpu.wait_dma2 semaphore(%arg12 : memref<!tpu.dma_semaphore, #tpu.memory_space<semaphore_mem>>) src(%dma_wait3A_14 : memref<10000xi32, #tpu.memory_space<hbm>>) dst(%arg7 : memref<10000xi32, #tpu.memory_space<vmem>>)
    %dma_wait3A_15 = tpu.memref_slice %arg3[%mul3A_2] : memref<320000xi32, #tpu.memory_space<hbm>> -> memref<10000xi32, #tpu.memory_space<hbm>>
    %dma_wait3A_16 = tpu.memref_slice %arg3[%mul3A_2] : memref<320000xi32, #tpu.memory_space<hbm>> -> memref<10000xi32, #tpu.memory_space<hbm>>
    tpu.wait_dma2 semaphore(%arg12 : memref<!tpu.dma_semaphore, #tpu.memory_space<semaphore_mem>>) src(%dma_wait3A_16 : memref<10000xi32, #tpu.memory_space<hbm>>) dst(%arg8 : memref<10000xi32, #tpu.memory_space<vmem>>)
    %dma_wait3A_17 = tpu.memref_slice %arg4[%mul3A_2] : memref<320000xf32, #tpu.memory_space<hbm>> -> memref<10000xf32, #tpu.memory_space<hbm>>
    %dma_wait3A_18 = tpu.memref_slice %arg4[%mul3A_2] : memref<320000xf32, #tpu.memory_space<hbm>> -> memref<10000xf32, #tpu.memory_space<hbm>>
    tpu.wait_dma2 semaphore(%arg12 : memref<!tpu.dma_semaphore, #tpu.memory_space<semaphore_mem>>) src(%dma_wait3A_18 : memref<10000xf32, #tpu.memory_space<hbm>>) dst(%arg9 : memref<10000xf32, #tpu.memory_space<vmem>>)
    %scan3A_19 = arith.constant 0 : i32
    %scan3A_20 = arith.constant 16 : i32
    %scan3A_21 = arith.constant 0 : i32
    %scan3A_22 = arith.constant 625 : i32
    %scan3A_23 = arith.addi %scan3A_21, %scan3A_22 : i32
    %scan3A_24 = arith.constant 1 : i32
    scf.for %scan3A_26 = %scan3A_21 to %scan3A_23 step %scan3A_24  : i32 {
      %mul3A_27 = arith.constant 16 : i32
      %mul3A_28 = arith.muli %scan3A_26, %mul3A_27 : i32
      %get3A = arith.index_cast %mul3A_28 : i32 to index
      %get3A_29 = tpu.vector_load %arg8[%get3A] {strides = array<i32>} : memref<10000xi32, #tpu.memory_space<vmem>>, vector<16xi32>,
      %get3A_30 = arith.index_cast %mul3A_28 : i32 to index
      %get3A_31 = tpu.vector_load %arg9[%get3A_30] {strides = array<i32>} : memref<10000xf32, #tpu.memory_space<vmem>>, vector<16xf32>,
      tpu.vector_store_idx %arg11[%get3A_29], %get3A_31 {add = true} : memref<10240xf32, #tpu.memory_space<vmem>>[vector<16xi32>], vector<16xf32>,
      %get3A_32 = arith.index_cast %mul3A_28 : i32 to index
      %get3A_33 = tpu.vector_load %arg7[%get3A_32] {strides = array<i32>} : memref<10000xi32, #tpu.memory_space<vmem>>, vector<16xi32>,
      %shift_left3A = vector.broadcast %scan3A_20 : i32 to vector<16xi32>
      %shift_left3A_34 = arith.shli %get3A_29, %shift_left3A : vector<16xi32>
      %or3A = arith.ori %get3A_33, %shift_left3A_34 : vector<16xi32>
      %swap3A = arith.index_cast %mul3A_28 : i32 to index
      %swap3A_35 = tpu.vector_load %arg10[%swap3A] {strides = array<i32>} : memref<10000xi32, #tpu.memory_space<vmem>>, vector<16xi32>,
      tpu.vector_store %arg10[%swap3A], %or3A {strides = array<i32>} : memref<10000xi32, #tpu.memory_space<vmem>>, vector<16xi32>,
    }
    %scan3A_25 = arith.constant 625 : i32
    "tpu.region"() ({
      %run_scoped3A = tpu.sem_alloc : memref<!tpu.dma_semaphore, #tpu.memory_space<semaphore_mem>>
      %dma_start3A_26 = arith.constant 0 : i32
      %dma_start3A_27 = tpu.memref_slice %arg5[%add3A, %dma_start3A_26] : memref<32x10240xf32, #tpu.memory_space<hbm>> -> memref<1x10240xf32, #tpu.memory_space<hbm>>
      %dma_start3A_28 = tpu.memref_squeeze %dma_start3A_27 : memref<1x10240xf32, #tpu.memory_space<hbm>> -> memref<10240xf32, #tpu.memory_space<hbm>>
      %dma_start3A_29 = arith.constant 0 : i32
      %dma_start3A_30 = tpu.memref_slice %arg5[%add3A, %dma_start3A_29] : memref<32x10240xf32, #tpu.memory_space<hbm>> -> memref<1x10240xf32, #tpu.memory_space<hbm>>
      %dma_start3A_31 = tpu.memref_squeeze %dma_start3A_30 : memref<1x10240xf32, #tpu.memory_space<hbm>> -> memref<10240xf32, #tpu.memory_space<hbm>>
      tpu.enqueue_dma source(%arg11 : memref<10240xf32, #tpu.memory_space<vmem>>) target(%dma_start3A_31 : memref<10240xf32, #tpu.memory_space<hbm>>) target_semaphore(%run_scoped3A : memref<!tpu.dma_semaphore, #tpu.memory_space<semaphore_mem>>)
      %dma_wait3A_32 = arith.constant 0 : i32
      %dma_wait3A_33 = tpu.memref_slice %arg5[%add3A, %dma_wait3A_32] : memref<32x10240xf32, #tpu.memory_space<hbm>> -> memref<1x10240xf32, #tpu.memory_space<hbm>>
      %dma_wait3A_34 = tpu.memref_squeeze %dma_wait3A_33 : memref<1x10240xf32, #tpu.memory_space<hbm>> -> memref<10240xf32, #tpu.memory_space<hbm>>
      %dma_wait3A_35 = arith.constant 0 : i32
      %dma_wait3A_36 = tpu.memref_slice %arg5[%add3A, %dma_wait3A_35] : memref<32x10240xf32, #tpu.memory_space<hbm>> -> memref<1x10240xf32, #tpu.memory_space<hbm>>
      %dma_wait3A_37 = tpu.memref_squeeze %dma_wait3A_36 : memref<1x10240xf32, #tpu.memory_space<hbm>> -> memref<10240xf32, #tpu.memory_space<hbm>>
      tpu.wait_dma2 semaphore(%run_scoped3A : memref<!tpu.dma_semaphore, #tpu.memory_space<semaphore_mem>>) src(%arg11 : memref<10240xf32, #tpu.memory_space<vmem>>) dst(%dma_wait3A_37 : memref<10240xf32, #tpu.memory_space<hbm>>)
      tpu.yield
    }) : () -> ()
    "tpu.region"() ({
      %run_scoped3A = tpu.sem_alloc : memref<!tpu.dma_semaphore, #tpu.memory_space<semaphore_mem>>
      %dma_start3A_26 = tpu.memref_slice %arg6[%mul3A_2] : memref<320000xi32, #tpu.memory_space<hbm>> -> memref<10000xi32, #tpu.memory_space<hbm>>
      %dma_start3A_27 = tpu.memref_slice %arg6[%mul3A_2] : memref<320000xi32, #tpu.memory_space<hbm>> -> memref<10000xi32, #tpu.memory_space<hbm>>
      tpu.enqueue_dma source(%arg10 : memref<10000xi32, #tpu.memory_space<vmem>>) target(%dma_start3A_27 : memref<10000xi32, #tpu.memory_space<hbm>>) target_semaphore(%run_scoped3A : memref<!tpu.dma_semaphore, #tpu.memory_space<semaphore_mem>>)
      %dma_wait3A_28 = tpu.memref_slice %arg6[%mul3A_2] : memref<320000xi32, #tpu.memory_space<hbm>> -> memref<10000xi32, #tpu.memory_space<hbm>>
      %dma_wait3A_29 = tpu.memref_slice %arg6[%mul3A_2] : memref<320000xi32, #tpu.memory_space<hbm>> -> memref<10000xi32, #tpu.memory_space<hbm>>
      tpu.wait_dma2 semaphore(%run_scoped3A : memref<!tpu.dma_semaphore, #tpu.memory_space<semaphore_mem>>) src(%arg10 : memref<10000xi32, #tpu.memory_space<vmem>>) dst(%dma_wait3A_29 : memref<10000xi32, #tpu.memory_space<hbm>>)
      tpu.yield
    }) : () -> ()
    return
  }
}

#map = affine_map<(d0, d1) -> (0, 0)>
#map1 = affine_map<(d0, d1) -> (0)>
#map2 = affine_map<(d0, d1) -> (0, 0, 0)>
module attributes {stable_mosaic.version = 14 : i64} {
  func.func @msg_kernel(%arg0: i32, %arg1: i32, %arg2: memref<32x10240xi32, #tpu.memory_space<hbm>>, %arg3: memref<320000xi32, #tpu.memory_space<hbm>>, %arg4: memref<320000xf32, #tpu.memory_space<hbm>>, %arg5: memref<2x64x10240xf32, #tpu.memory_space<hbm>>, %arg6: memref<10240xi32, #tpu.memory_space<vmem>>, %arg7: memref<10240xi32, #tpu.memory_space<vmem>>, %arg8: memref<10240xf32, #tpu.memory_space<vmem>>, %arg9: memref<10240xf32, #tpu.memory_space<vmem>>, %arg10: memref<10240xf32, #tpu.memory_space<vmem>>, %arg11: memref<10240xf32, #tpu.memory_space<vmem>>, %arg12: memref<8000xi32, #tpu.memory_space<vmem>>, %arg13: memref<8000xf32, #tpu.memory_space<vmem>>, %arg14: memref<8000xi32, #tpu.memory_space<vmem>>, %arg15: memref<8000xf32, #tpu.memory_space<vmem>>, %arg16: memref<!tpu.dma_semaphore, #tpu.memory_space<semaphore_mem>>, %arg17: memref<!tpu.dma_semaphore, #tpu.memory_space<semaphore_mem>>, %arg18: memref<!tpu.dma_semaphore, #tpu.memory_space<semaphore_mem>>) attributes {dimension_semantics = [#tpu.dimension_semantics<core_parallel>, #tpu.dimension_semantics<subcore_parallel>], iteration_bounds = array<i64: 2, 16>, scalar_prefetch = 0 : i64, scratch_operands = 13 : i64, tpu.core_type = #tpu.core_type<sc_vector_subcore>, window_params = [{transform_indices = #map}, {transform_indices = #map1}, {transform_indices = #map1}, {transform_indices = #map2}]} {
    %mul3A = arith.constant 2 : i32
    %mul3A_0 = arith.muli %arg1, %mul3A : i32
    %add3A = arith.addi %mul3A_0, %arg0 : i32
    %jit3A = arith.constant 2 : i32
    %eq3A = arith.constant 0 : i32
    %eq3A_1 = arith.cmpi eq, %jit3A, %eq3A : i32
    %jit3A_2 = arith.constant 1 : i32
    %select_n3A = arith.select %eq3A_1, %jit3A_2, %jit3A : i32
    %rem3A = arith.remsi %add3A, %select_n3A : i32
    %ne3A = arith.constant 0 : i32
    %ne3A_3 = arith.cmpi ne, %rem3A, %ne3A : i32
    %lt3A = arith.constant 0 : i32
    %lt3A_4 = arith.cmpi slt, %rem3A, %lt3A : i32
    %lt3A_5 = arith.constant 0 : i32
    %lt3A_6 = arith.cmpi slt, %select_n3A, %lt3A_5 : i32
    %ne3A_7 = arith.xori %lt3A_4, %lt3A_6 : i1
    %and3A = arith.andi %ne3A_7, %ne3A_3 : i1
    %add3A_8 = arith.addi %rem3A, %select_n3A : i32
    %select_n3A_9 = arith.select %and3A, %add3A_8, %rem3A : i32
    %jit3A_10 = arith.constant 2 : i32
    %div3A = arith.divsi %add3A, %jit3A_10 : i32
    %sign3A = arith.constant 0 : i32
    %sign3A_11 = arith.cmpi sgt, %add3A, %sign3A : i32
    %sign3A_12 = arith.extui %sign3A_11 : i1 to i32
    %sign3A_13 = arith.constant 0 : i32
    %sign3A_14 = arith.cmpi slt, %add3A, %sign3A_13 : i32
    %sign3A_15 = arith.extui %sign3A_14 : i1 to i32
    %sign3A_16 = arith.subi %sign3A_12, %sign3A_15 : i32
    %sign3A_17 = arith.constant 0 : i32
    %sign3A_18 = arith.cmpi sgt, %jit3A_10, %sign3A_17 : i32
    %sign3A_19 = arith.extui %sign3A_18 : i1 to i32
    %sign3A_20 = arith.constant 0 : i32
    %sign3A_21 = arith.cmpi slt, %jit3A_10, %sign3A_20 : i32
    %sign3A_22 = arith.extui %sign3A_21 : i1 to i32
    %sign3A_23 = arith.subi %sign3A_19, %sign3A_22 : i32
    %ne3A_24 = arith.cmpi ne, %sign3A_16, %sign3A_23 : i32
    %rem3A_25 = arith.remsi %add3A, %jit3A_10 : i32
    %ne3A_26 = arith.constant 0 : i32
    %ne3A_27 = arith.cmpi ne, %rem3A_25, %ne3A_26 : i32
    %and3A_28 = arith.andi %ne3A_24, %ne3A_27 : i1
    %sub3A = arith.constant 1 : i32
    %sub3A_29 = arith.subi %div3A, %sub3A : i32
    %select_n3A_30 = arith.select %and3A_28, %sub3A_29, %div3A : i32
    %mul3A_31 = arith.constant 2 : i32
    %mul3A_32 = arith.muli %select_n3A_30, %mul3A_31 : i32
    %mul3A_33 = arith.constant 160000 : i32
    %mul3A_34 = arith.muli %select_n3A_9, %mul3A_33 : i32
    %add3A_35 = arith.constant 0 : i32
    %add3A_36 = arith.addi %mul3A_32, %add3A_35 : i32
    %dma_start3A = arith.constant 0 : i32
    %dma_start3A_37 = tpu.memref_slice %arg2[%add3A_36, %dma_start3A] : memref<32x10240xi32, #tpu.memory_space<hbm>> -> memref<1x10240xi32, #tpu.memory_space<hbm>>
    %dma_start3A_38 = tpu.memref_squeeze %dma_start3A_37 : memref<1x10240xi32, #tpu.memory_space<hbm>> -> memref<10240xi32, #tpu.memory_space<hbm>>
    %dma_start3A_39 = arith.constant 0 : i32
    %dma_start3A_40 = tpu.memref_slice %arg2[%add3A_36, %dma_start3A_39] : memref<32x10240xi32, #tpu.memory_space<hbm>> -> memref<1x10240xi32, #tpu.memory_space<hbm>>
    %dma_start3A_41 = tpu.memref_squeeze %dma_start3A_40 : memref<1x10240xi32, #tpu.memory_space<hbm>> -> memref<10240xi32, #tpu.memory_space<hbm>>
    tpu.enqueue_dma source(%dma_start3A_41 : memref<10240xi32, #tpu.memory_space<hbm>>) target(%arg6 : memref<10240xi32, #tpu.memory_space<vmem>>) target_semaphore(%arg18 : memref<!tpu.dma_semaphore, #tpu.memory_space<semaphore_mem>>)
    %add3A_42 = arith.constant 1 : i32
    %add3A_43 = arith.addi %mul3A_32, %add3A_42 : i32
    %dma_start3A_44 = arith.constant 0 : i32
    %dma_start3A_45 = tpu.memref_slice %arg2[%add3A_43, %dma_start3A_44] : memref<32x10240xi32, #tpu.memory_space<hbm>> -> memref<1x10240xi32, #tpu.memory_space<hbm>>
    %dma_start3A_46 = tpu.memref_squeeze %dma_start3A_45 : memref<1x10240xi32, #tpu.memory_space<hbm>> -> memref<10240xi32, #tpu.memory_space<hbm>>
    %dma_start3A_47 = arith.constant 0 : i32
    %dma_start3A_48 = tpu.memref_slice %arg2[%add3A_43, %dma_start3A_47] : memref<32x10240xi32, #tpu.memory_space<hbm>> -> memref<1x10240xi32, #tpu.memory_space<hbm>>
    %dma_start3A_49 = tpu.memref_squeeze %dma_start3A_48 : memref<1x10240xi32, #tpu.memory_space<hbm>> -> memref<10240xi32, #tpu.memory_space<hbm>>
    tpu.enqueue_dma source(%dma_start3A_49 : memref<10240xi32, #tpu.memory_space<hbm>>) target(%arg7 : memref<10240xi32, #tpu.memory_space<vmem>>) target_semaphore(%arg18 : memref<!tpu.dma_semaphore, #tpu.memory_space<semaphore_mem>>)
    %broadcast_in_dim3A = arith.constant 0.000000e+00 : f32
    %broadcast_in_dim3A_50 = vector.broadcast %broadcast_in_dim3A : f32 to vector<16xf32>
    %scan3A = arith.constant 0 : i32
    %scan3A_51 = arith.constant 0 : i32
    %scan3A_52 = arith.constant 640 : i32
    %scan3A_53 = arith.addi %scan3A_51, %scan3A_52 : i32
    %scan3A_54 = arith.constant 1 : i32
    scf.for %scan3A_158 = %scan3A_51 to %scan3A_53 step %scan3A_54  : i32 {
      %mul3A_159 = arith.constant 16 : i32
      %mul3A_160 = arith.muli %scan3A_158, %mul3A_159 : i32
      %swap3A = arith.index_cast %mul3A_160 : i32 to index
      %swap3A_161 = tpu.vector_load %arg8[%swap3A] {strides = array<i32>} : memref<10240xf32, #tpu.memory_space<vmem>>, vector<16xf32>,
      tpu.vector_store %arg8[%swap3A], %broadcast_in_dim3A_50 {strides = array<i32>} : memref<10240xf32, #tpu.memory_space<vmem>>, vector<16xf32>,
      %mul3A_162 = arith.constant 16 : i32
      %mul3A_163 = arith.muli %scan3A_158, %mul3A_162 : i32
      %swap3A_164 = arith.index_cast %mul3A_163 : i32 to index
      %swap3A_165 = tpu.vector_load %arg9[%swap3A_164] {strides = array<i32>} : memref<10240xf32, #tpu.memory_space<vmem>>, vector<16xf32>,
      tpu.vector_store %arg9[%swap3A_164], %broadcast_in_dim3A_50 {strides = array<i32>} : memref<10240xf32, #tpu.memory_space<vmem>>, vector<16xf32>,
      %mul3A_166 = arith.constant 16 : i32
      %mul3A_167 = arith.muli %scan3A_158, %mul3A_166 : i32
      %swap3A_168 = arith.index_cast %mul3A_167 : i32 to index
      %swap3A_169 = tpu.vector_load %arg10[%swap3A_168] {strides = array<i32>} : memref<10240xf32, #tpu.memory_space<vmem>>, vector<16xf32>,
      tpu.vector_store %arg10[%swap3A_168], %broadcast_in_dim3A_50 {strides = array<i32>} : memref<10240xf32, #tpu.memory_space<vmem>>, vector<16xf32>,
      %mul3A_170 = arith.constant 16 : i32
      %mul3A_171 = arith.muli %scan3A_158, %mul3A_170 : i32
      %swap3A_172 = arith.index_cast %mul3A_171 : i32 to index
      %swap3A_173 = tpu.vector_load %arg11[%swap3A_172] {strides = array<i32>} : memref<10240xf32, #tpu.memory_space<vmem>>, vector<16xf32>,
      tpu.vector_store %arg11[%swap3A_172], %broadcast_in_dim3A_50 {strides = array<i32>} : memref<10240xf32, #tpu.memory_space<vmem>>, vector<16xf32>,
    }
    %scan3A_55 = arith.constant 640 : i32
    %add3A_56 = arith.constant 0 : i32
    %add3A_57 = arith.addi %mul3A_32, %add3A_56 : i32
    %dma_wait3A = arith.constant 0 : i32
    %dma_wait3A_58 = tpu.memref_slice %arg2[%add3A_57, %dma_wait3A] : memref<32x10240xi32, #tpu.memory_space<hbm>> -> memref<1x10240xi32, #tpu.memory_space<hbm>>
    %dma_wait3A_59 = tpu.memref_squeeze %dma_wait3A_58 : memref<1x10240xi32, #tpu.memory_space<hbm>> -> memref<10240xi32, #tpu.memory_space<hbm>>
    %dma_wait3A_60 = arith.constant 0 : i32
    %dma_wait3A_61 = tpu.memref_slice %arg2[%add3A_57, %dma_wait3A_60] : memref<32x10240xi32, #tpu.memory_space<hbm>> -> memref<1x10240xi32, #tpu.memory_space<hbm>>
    %dma_wait3A_62 = tpu.memref_squeeze %dma_wait3A_61 : memref<1x10240xi32, #tpu.memory_space<hbm>> -> memref<10240xi32, #tpu.memory_space<hbm>>
    tpu.wait_dma2 semaphore(%arg18 : memref<!tpu.dma_semaphore, #tpu.memory_space<semaphore_mem>>) src(%dma_wait3A_62 : memref<10240xi32, #tpu.memory_space<hbm>>) dst(%arg6 : memref<10240xi32, #tpu.memory_space<vmem>>)
    %add3A_63 = arith.constant 1 : i32
    %add3A_64 = arith.addi %mul3A_32, %add3A_63 : i32
    %dma_wait3A_65 = arith.constant 0 : i32
    %dma_wait3A_66 = tpu.memref_slice %arg2[%add3A_64, %dma_wait3A_65] : memref<32x10240xi32, #tpu.memory_space<hbm>> -> memref<1x10240xi32, #tpu.memory_space<hbm>>
    %dma_wait3A_67 = tpu.memref_squeeze %dma_wait3A_66 : memref<1x10240xi32, #tpu.memory_space<hbm>> -> memref<10240xi32, #tpu.memory_space<hbm>>
    %dma_wait3A_68 = arith.constant 0 : i32
    %dma_wait3A_69 = tpu.memref_slice %arg2[%add3A_64, %dma_wait3A_68] : memref<32x10240xi32, #tpu.memory_space<hbm>> -> memref<1x10240xi32, #tpu.memory_space<hbm>>
    %dma_wait3A_70 = tpu.memref_squeeze %dma_wait3A_69 : memref<1x10240xi32, #tpu.memory_space<hbm>> -> memref<10240xi32, #tpu.memory_space<hbm>>
    tpu.wait_dma2 semaphore(%arg18 : memref<!tpu.dma_semaphore, #tpu.memory_space<semaphore_mem>>) src(%dma_wait3A_70 : memref<10240xi32, #tpu.memory_space<hbm>>) dst(%arg7 : memref<10240xi32, #tpu.memory_space<vmem>>)
    %add3A_71 = arith.constant 0 : i32
    %add3A_72 = arith.addi %mul3A_34, %add3A_71 : i32
    %dma_start3A_73 = tpu.memref_slice %arg3[%add3A_72] : memref<320000xi32, #tpu.memory_space<hbm>> -> memref<8000xi32, #tpu.memory_space<hbm>>
    %dma_start3A_74 = tpu.memref_slice %arg3[%add3A_72] : memref<320000xi32, #tpu.memory_space<hbm>> -> memref<8000xi32, #tpu.memory_space<hbm>>
    tpu.enqueue_dma source(%dma_start3A_74 : memref<8000xi32, #tpu.memory_space<hbm>>) target(%arg12 : memref<8000xi32, #tpu.memory_space<vmem>>) target_semaphore(%arg16 : memref<!tpu.dma_semaphore, #tpu.memory_space<semaphore_mem>>)
    %dma_start3A_75 = tpu.memref_slice %arg4[%add3A_72] : memref<320000xf32, #tpu.memory_space<hbm>> -> memref<8000xf32, #tpu.memory_space<hbm>>
    %dma_start3A_76 = tpu.memref_slice %arg4[%add3A_72] : memref<320000xf32, #tpu.memory_space<hbm>> -> memref<8000xf32, #tpu.memory_space<hbm>>
    tpu.enqueue_dma source(%dma_start3A_76 : memref<8000xf32, #tpu.memory_space<hbm>>) target(%arg13 : memref<8000xf32, #tpu.memory_space<vmem>>) target_semaphore(%arg16 : memref<!tpu.dma_semaphore, #tpu.memory_space<semaphore_mem>>)
    %scan3A_77 = arith.constant 0 : i32
    %scan3A_78 = arith.constant 65535 : i32
    %scan3A_79 = arith.constant 16 : i32
    %scan3A_80 = arith.constant -65536 : i32
    %scan3A_81 = arith.constant 0 : i32
    %scan3A_82 = arith.constant 10 : i32
    %scan3A_83 = arith.addi %scan3A_81, %scan3A_82 : i32
    %scan3A_84 = arith.constant 1 : i32
    scf.for %scan3A_158 = %scan3A_81 to %scan3A_83 step %scan3A_84  : i32 {
      %mul3A_159 = arith.constant 2 : i32
      %mul3A_160 = arith.muli %mul3A_159, %scan3A_158 : i32
      %add3A_161 = arith.constant 1 : i32
      %add3A_162 = arith.addi %mul3A_160, %add3A_161 : i32
      %mul3A_163 = arith.constant 8000 : i32
      %mul3A_164 = arith.muli %add3A_162, %mul3A_163 : i32
      %add3A_165 = arith.addi %mul3A_34, %mul3A_164 : i32
      %dma_start3A_166 = tpu.memref_slice %arg3[%add3A_165] : memref<320000xi32, #tpu.memory_space<hbm>> -> memref<8000xi32, #tpu.memory_space<hbm>>
      %dma_start3A_167 = tpu.memref_slice %arg3[%add3A_165] : memref<320000xi32, #tpu.memory_space<hbm>> -> memref<8000xi32, #tpu.memory_space<hbm>>
      tpu.enqueue_dma source(%dma_start3A_167 : memref<8000xi32, #tpu.memory_space<hbm>>) target(%arg14 : memref<8000xi32, #tpu.memory_space<vmem>>) target_semaphore(%arg17 : memref<!tpu.dma_semaphore, #tpu.memory_space<semaphore_mem>>)
      %dma_start3A_168 = tpu.memref_slice %arg4[%add3A_165] : memref<320000xf32, #tpu.memory_space<hbm>> -> memref<8000xf32, #tpu.memory_space<hbm>>
      %dma_start3A_169 = tpu.memref_slice %arg4[%add3A_165] : memref<320000xf32, #tpu.memory_space<hbm>> -> memref<8000xf32, #tpu.memory_space<hbm>>
      tpu.enqueue_dma source(%dma_start3A_169 : memref<8000xf32, #tpu.memory_space<hbm>>) target(%arg15 : memref<8000xf32, #tpu.memory_space<vmem>>) target_semaphore(%arg17 : memref<!tpu.dma_semaphore, #tpu.memory_space<semaphore_mem>>)
      %dma_wait3A_170 = arith.constant 0 : i32
      %dma_wait3A_171 = tpu.memref_slice %arg3[%dma_wait3A_170] : memref<320000xi32, #tpu.memory_space<hbm>> -> memref<8000xi32, #tpu.memory_space<hbm>>
      %dma_wait3A_172 = arith.constant 0 : i32
      %dma_wait3A_173 = tpu.memref_slice %arg3[%dma_wait3A_172] : memref<320000xi32, #tpu.memory_space<hbm>> -> memref<8000xi32, #tpu.memory_space<hbm>>
      tpu.wait_dma2 semaphore(%arg16 : memref<!tpu.dma_semaphore, #tpu.memory_space<semaphore_mem>>) src(%dma_wait3A_173 : memref<8000xi32, #tpu.memory_space<hbm>>) dst(%arg12 : memref<8000xi32, #tpu.memory_space<vmem>>)
      %dma_wait3A_174 = arith.constant 0 : i32
      %dma_wait3A_175 = tpu.memref_slice %arg4[%dma_wait3A_174] : memref<320000xf32, #tpu.memory_space<hbm>> -> memref<8000xf32, #tpu.memory_space<hbm>>
      %dma_wait3A_176 = arith.constant 0 : i32
      %dma_wait3A_177 = tpu.memref_slice %arg4[%dma_wait3A_176] : memref<320000xf32, #tpu.memory_space<hbm>> -> memref<8000xf32, #tpu.memory_space<hbm>>
      tpu.wait_dma2 semaphore(%arg16 : memref<!tpu.dma_semaphore, #tpu.memory_space<semaphore_mem>>) src(%dma_wait3A_177 : memref<8000xf32, #tpu.memory_space<hbm>>) dst(%arg13 : memref<8000xf32, #tpu.memory_space<vmem>>)
      %parallel_loop3A = arith.constant 0 : i32
      %parallel_loop3A_178 = arith.constant 500 : i32
      %parallel_loop3A_179 = arith.constant 1 : i32
      scf.for %parallel_loop3A_194 = %parallel_loop3A to %parallel_loop3A_178 step %parallel_loop3A_179  : i32 {
        %parallel_loop3A_195 = arith.constant 16 : i32
        %parallel_loop3A_196 = arith.muli %parallel_loop3A_194, %parallel_loop3A_195 : i32
        %parallel_loop3A_197 = arith.index_cast %parallel_loop3A_196 : i32 to index
        %parallel_loop3A_198 = tpu.vector_load %arg12[%parallel_loop3A_197] {strides = array<i32>} : memref<8000xi32, #tpu.memory_space<vmem>>, vector<16xi32>,
        %parallel_loop3A_199 = arith.index_cast %parallel_loop3A_196 : i32 to index
        %parallel_loop3A_200 = tpu.vector_load %arg13[%parallel_loop3A_199] {strides = array<i32>} : memref<8000xf32, #tpu.memory_space<vmem>>, vector<16xf32>,
        %parallel_loop3A_201 = vector.broadcast %scan3A_78 : i32 to vector<16xi32>
        %parallel_loop3A_202 = arith.andi %parallel_loop3A_198, %parallel_loop3A_201 : vector<16xi32>
        %parallel_loop3A_203 = vector.broadcast %scan3A_79 : i32 to vector<16xi32>
        %parallel_loop3A_204 = arith.shrui %parallel_loop3A_198, %parallel_loop3A_203 : vector<16xi32>
        %parallel_loop3A_205 = tpu.vector_load_idx %arg6[%parallel_loop3A_202] : memref<10240xi32, #tpu.memory_space<vmem>>[vector<16xi32>], vector<16xi32>,
        %parallel_loop3A_206 = vector.broadcast %scan3A_79 : i32 to vector<16xi32>
        %parallel_loop3A_207 = arith.shli %parallel_loop3A_205, %parallel_loop3A_206 : vector<16xi32>
        %parallel_loop3A_208 = vector.bitcast %parallel_loop3A_207 : vector<16xi32> to vector<16xf32>
        %parallel_loop3A_209 = vector.broadcast %scan3A_80 : i32 to vector<16xi32>
        %parallel_loop3A_210 = arith.andi %parallel_loop3A_205, %parallel_loop3A_209 : vector<16xi32>
        %parallel_loop3A_211 = vector.bitcast %parallel_loop3A_210 : vector<16xi32> to vector<16xf32>
        %parallel_loop3A_212 = arith.mulf %parallel_loop3A_208, %parallel_loop3A_200 : vector<16xf32>
        tpu.vector_store_idx %arg8[%parallel_loop3A_204], %parallel_loop3A_212 {add = true} : memref<10240xf32, #tpu.memory_space<vmem>>[vector<16xi32>], vector<16xf32>,
        %parallel_loop3A_213 = arith.mulf %parallel_loop3A_211, %parallel_loop3A_200 : vector<16xf32>
        tpu.vector_store_idx %arg9[%parallel_loop3A_204], %parallel_loop3A_213 {add = true} : memref<10240xf32, #tpu.memory_space<vmem>>[vector<16xi32>], vector<16xf32>,
        %parallel_loop3A_214 = tpu.vector_load_idx %arg7[%parallel_loop3A_202] : memref<10240xi32, #tpu.memory_space<vmem>>[vector<16xi32>], vector<16xi32>,
        %parallel_loop3A_215 = vector.broadcast %scan3A_79 : i32 to vector<16xi32>
        %parallel_loop3A_216 = arith.shli %parallel_loop3A_214, %parallel_loop3A_215 : vector<16xi32>
        %parallel_loop3A_217 = vector.bitcast %parallel_loop3A_216 : vector<16xi32> to vector<16xf32>
        %parallel_loop3A_218 = vector.broadcast %scan3A_80 : i32 to vector<16xi32>
        %parallel_loop3A_219 = arith.andi %parallel_loop3A_214, %parallel_loop3A_218 : vector<16xi32>
        %parallel_loop3A_220 = vector.bitcast %parallel_loop3A_219 : vector<16xi32> to vector<16xf32>
        %parallel_loop3A_221 = arith.mulf %parallel_loop3A_217, %parallel_loop3A_200 : vector<16xf32>
        tpu.vector_store_idx %arg10[%parallel_loop3A_204], %parallel_loop3A_221 {add = true} : memref<10240xf32, #tpu.memory_space<vmem>>[vector<16xi32>], vector<16xf32>,
        %parallel_loop3A_222 = arith.mulf %parallel_loop3A_220, %parallel_loop3A_200 : vector<16xf32>
        tpu.vector_store_idx %arg11[%parallel_loop3A_204], %parallel_loop3A_222 {add = true} : memref<10240xf32, #tpu.memory_space<vmem>>[vector<16xi32>], vector<16xf32>,
      } {sc.loop_unroll_factor = 2 : i64, sc.parallel_access}
      %lt3A_180 = arith.constant 9 : i32
      %lt3A_181 = arith.cmpi slt, %scan3A_158, %lt3A_180 : i32
      %convert_element_type3A = arith.extui %lt3A_181 : i1 to i32
      %cond3A = arith.constant 0 : i32
      %cond3A_182 = arith.cmpi ne, %convert_element_type3A, %cond3A : i32
      scf.if %cond3A_182 {
        %mul3A_194 = arith.constant 2 : i32
        %mul3A_195 = arith.muli %mul3A_194, %scan3A_158 : i32
        %add3A_196 = arith.constant 2 : i32
        %add3A_197 = arith.addi %mul3A_195, %add3A_196 : i32
        %mul3A_198 = arith.constant 8000 : i32
        %mul3A_199 = arith.muli %add3A_197, %mul3A_198 : i32
        %add3A_200 = arith.addi %mul3A_34, %mul3A_199 : i32
        %dma_start3A_201 = tpu.memref_slice %arg3[%add3A_200] : memref<320000xi32, #tpu.memory_space<hbm>> -> memref<8000xi32, #tpu.memory_space<hbm>>
        %dma_start3A_202 = tpu.memref_slice %arg3[%add3A_200] : memref<320000xi32, #tpu.memory_space<hbm>> -> memref<8000xi32, #tpu.memory_space<hbm>>
        tpu.enqueue_dma source(%dma_start3A_202 : memref<8000xi32, #tpu.memory_space<hbm>>) target(%arg12 : memref<8000xi32, #tpu.memory_space<vmem>>) target_semaphore(%arg16 : memref<!tpu.dma_semaphore, #tpu.memory_space<semaphore_mem>>)
        %dma_start3A_203 = tpu.memref_slice %arg4[%add3A_200] : memref<320000xf32, #tpu.memory_space<hbm>> -> memref<8000xf32, #tpu.memory_space<hbm>>
        %dma_start3A_204 = tpu.memref_slice %arg4[%add3A_200] : memref<320000xf32, #tpu.memory_space<hbm>> -> memref<8000xf32, #tpu.memory_space<hbm>>
        tpu.enqueue_dma source(%dma_start3A_204 : memref<8000xf32, #tpu.memory_space<hbm>>) target(%arg13 : memref<8000xf32, #tpu.memory_space<vmem>>) target_semaphore(%arg16 : memref<!tpu.dma_semaphore, #tpu.memory_space<semaphore_mem>>)
      } else {
      }
      %dma_wait3A_183 = arith.constant 0 : i32
      %dma_wait3A_184 = tpu.memref_slice %arg3[%dma_wait3A_183] : memref<320000xi32, #tpu.memory_space<hbm>> -> memref<8000xi32, #tpu.memory_space<hbm>>
      %dma_wait3A_185 = arith.constant 0 : i32
      %dma_wait3A_186 = tpu.memref_slice %arg3[%dma_wait3A_185] : memref<320000xi32, #tpu.memory_space<hbm>> -> memref<8000xi32, #tpu.memory_space<hbm>>
      tpu.wait_dma2 semaphore(%arg17 : memref<!tpu.dma_semaphore, #tpu.memory_space<semaphore_mem>>) src(%dma_wait3A_186 : memref<8000xi32, #tpu.memory_space<hbm>>) dst(%arg14 : memref<8000xi32, #tpu.memory_space<vmem>>)
      %dma_wait3A_187 = arith.constant 0 : i32
      %dma_wait3A_188 = tpu.memref_slice %arg4[%dma_wait3A_187] : memref<320000xf32, #tpu.memory_space<hbm>> -> memref<8000xf32, #tpu.memory_space<hbm>>
      %dma_wait3A_189 = arith.constant 0 : i32
      %dma_wait3A_190 = tpu.memref_slice %arg4[%dma_wait3A_189] : memref<320000xf32, #tpu.memory_space<hbm>> -> memref<8000xf32, #tpu.memory_space<hbm>>
      tpu.wait_dma2 semaphore(%arg17 : memref<!tpu.dma_semaphore, #tpu.memory_space<semaphore_mem>>) src(%dma_wait3A_190 : memref<8000xf32, #tpu.memory_space<hbm>>) dst(%arg15 : memref<8000xf32, #tpu.memory_space<vmem>>)
      %parallel_loop3A_191 = arith.constant 0 : i32
      %parallel_loop3A_192 = arith.constant 500 : i32
      %parallel_loop3A_193 = arith.constant 1 : i32
      scf.for %parallel_loop3A_194 = %parallel_loop3A_191 to %parallel_loop3A_192 step %parallel_loop3A_193  : i32 {
        %parallel_loop3A_195 = arith.constant 16 : i32
        %parallel_loop3A_196 = arith.muli %parallel_loop3A_194, %parallel_loop3A_195 : i32
        %parallel_loop3A_197 = arith.index_cast %parallel_loop3A_196 : i32 to index
        %parallel_loop3A_198 = tpu.vector_load %arg14[%parallel_loop3A_197] {strides = array<i32>} : memref<8000xi32, #tpu.memory_space<vmem>>, vector<16xi32>,
        %parallel_loop3A_199 = arith.index_cast %parallel_loop3A_196 : i32 to index
        %parallel_loop3A_200 = tpu.vector_load %arg15[%parallel_loop3A_199] {strides = array<i32>} : memref<8000xf32, #tpu.memory_space<vmem>>, vector<16xf32>,
        %parallel_loop3A_201 = vector.broadcast %scan3A_78 : i32 to vector<16xi32>
        %parallel_loop3A_202 = arith.andi %parallel_loop3A_198, %parallel_loop3A_201 : vector<16xi32>
        %parallel_loop3A_203 = vector.broadcast %scan3A_79 : i32 to vector<16xi32>
        %parallel_loop3A_204 = arith.shrui %parallel_loop3A_198, %parallel_loop3A_203 : vector<16xi32>
        %parallel_loop3A_205 = tpu.vector_load_idx %arg6[%parallel_loop3A_202] : memref<10240xi32, #tpu.memory_space<vmem>>[vector<16xi32>], vector<16xi32>,
        %parallel_loop3A_206 = vector.broadcast %scan3A_79 : i32 to vector<16xi32>
        %parallel_loop3A_207 = arith.shli %parallel_loop3A_205, %parallel_loop3A_206 : vector<16xi32>
        %parallel_loop3A_208 = vector.bitcast %parallel_loop3A_207 : vector<16xi32> to vector<16xf32>
        %parallel_loop3A_209 = vector.broadcast %scan3A_80 : i32 to vector<16xi32>
        %parallel_loop3A_210 = arith.andi %parallel_loop3A_205, %parallel_loop3A_209 : vector<16xi32>
        %parallel_loop3A_211 = vector.bitcast %parallel_loop3A_210 : vector<16xi32> to vector<16xf32>
        %parallel_loop3A_212 = arith.mulf %parallel_loop3A_208, %parallel_loop3A_200 : vector<16xf32>
        tpu.vector_store_idx %arg8[%parallel_loop3A_204], %parallel_loop3A_212 {add = true} : memref<10240xf32, #tpu.memory_space<vmem>>[vector<16xi32>], vector<16xf32>,
        %parallel_loop3A_213 = arith.mulf %parallel_loop3A_211, %parallel_loop3A_200 : vector<16xf32>
        tpu.vector_store_idx %arg9[%parallel_loop3A_204], %parallel_loop3A_213 {add = true} : memref<10240xf32, #tpu.memory_space<vmem>>[vector<16xi32>], vector<16xf32>,
        %parallel_loop3A_214 = tpu.vector_load_idx %arg7[%parallel_loop3A_202] : memref<10240xi32, #tpu.memory_space<vmem>>[vector<16xi32>], vector<16xi32>,
        %parallel_loop3A_215 = vector.broadcast %scan3A_79 : i32 to vector<16xi32>
        %parallel_loop3A_216 = arith.shli %parallel_loop3A_214, %parallel_loop3A_215 : vector<16xi32>
        %parallel_loop3A_217 = vector.bitcast %parallel_loop3A_216 : vector<16xi32> to vector<16xf32>
        %parallel_loop3A_218 = vector.broadcast %scan3A_80 : i32 to vector<16xi32>
        %parallel_loop3A_219 = arith.andi %parallel_loop3A_214, %parallel_loop3A_218 : vector<16xi32>
        %parallel_loop3A_220 = vector.bitcast %parallel_loop3A_219 : vector<16xi32> to vector<16xf32>
        %parallel_loop3A_221 = arith.mulf %parallel_loop3A_217, %parallel_loop3A_200 : vector<16xf32>
        tpu.vector_store_idx %arg10[%parallel_loop3A_204], %parallel_loop3A_221 {add = true} : memref<10240xf32, #tpu.memory_space<vmem>>[vector<16xi32>], vector<16xf32>,
        %parallel_loop3A_222 = arith.mulf %parallel_loop3A_220, %parallel_loop3A_200 : vector<16xf32>
        tpu.vector_store_idx %arg11[%parallel_loop3A_204], %parallel_loop3A_222 {add = true} : memref<10240xf32, #tpu.memory_space<vmem>>[vector<16xi32>], vector<16xf32>,
      } {sc.loop_unroll_factor = 2 : i64, sc.parallel_access}
    }
    %scan3A_85 = arith.constant 10 : i32
    %add3A_86 = arith.constant 0 : i32
    %add3A_87 = arith.addi %mul3A_32, %add3A_86 : i32
    %dma_start3A_88 = arith.constant 0 : i32
    %dma_start3A_89 = tpu.memref_slice %arg5[%select_n3A_9, %add3A_87, %dma_start3A_88] : memref<2x64x10240xf32, #tpu.memory_space<hbm>> -> memref<1x1x10240xf32, #tpu.memory_space<hbm>>
    %dma_start3A_90 = tpu.memref_squeeze %dma_start3A_89 : memref<1x1x10240xf32, #tpu.memory_space<hbm>> -> memref<10240xf32, #tpu.memory_space<hbm>>
    %dma_start3A_91 = arith.constant 0 : i32
    %dma_start3A_92 = tpu.memref_slice %arg5[%select_n3A_9, %add3A_87, %dma_start3A_91] : memref<2x64x10240xf32, #tpu.memory_space<hbm>> -> memref<1x1x10240xf32, #tpu.memory_space<hbm>>
    %dma_start3A_93 = tpu.memref_squeeze %dma_start3A_92 : memref<1x1x10240xf32, #tpu.memory_space<hbm>> -> memref<10240xf32, #tpu.memory_space<hbm>>
    tpu.enqueue_dma source(%arg8 : memref<10240xf32, #tpu.memory_space<vmem>>) target(%dma_start3A_93 : memref<10240xf32, #tpu.memory_space<hbm>>) target_semaphore(%arg18 : memref<!tpu.dma_semaphore, #tpu.memory_space<semaphore_mem>>)
    %add3A_94 = arith.constant 32 : i32
    %add3A_95 = arith.addi %add3A_94, %mul3A_32 : i32
    %add3A_96 = arith.constant 0 : i32
    %add3A_97 = arith.addi %add3A_95, %add3A_96 : i32
    %dma_start3A_98 = arith.constant 0 : i32
    %dma_start3A_99 = tpu.memref_slice %arg5[%select_n3A_9, %add3A_97, %dma_start3A_98] : memref<2x64x10240xf32, #tpu.memory_space<hbm>> -> memref<1x1x10240xf32, #tpu.memory_space<hbm>>
    %dma_start3A_100 = tpu.memref_squeeze %dma_start3A_99 : memref<1x1x10240xf32, #tpu.memory_space<hbm>> -> memref<10240xf32, #tpu.memory_space<hbm>>
    %dma_start3A_101 = arith.constant 0 : i32
    %dma_start3A_102 = tpu.memref_slice %arg5[%select_n3A_9, %add3A_97, %dma_start3A_101] : memref<2x64x10240xf32, #tpu.memory_space<hbm>> -> memref<1x1x10240xf32, #tpu.memory_space<hbm>>
    %dma_start3A_103 = tpu.memref_squeeze %dma_start3A_102 : memref<1x1x10240xf32, #tpu.memory_space<hbm>> -> memref<10240xf32, #tpu.memory_space<hbm>>
    tpu.enqueue_dma source(%arg9 : memref<10240xf32, #tpu.memory_space<vmem>>) target(%dma_start3A_103 : memref<10240xf32, #tpu.memory_space<hbm>>) target_semaphore(%arg18 : memref<!tpu.dma_semaphore, #tpu.memory_space<semaphore_mem>>)
    %add3A_104 = arith.constant 1 : i32
    %add3A_105 = arith.addi %mul3A_32, %add3A_104 : i32
    %dma_start3A_106 = arith.constant 0 : i32
    %dma_start3A_107 = tpu.memref_slice %arg5[%select_n3A_9, %add3A_105, %dma_start3A_106] : memref<2x64x10240xf32, #tpu.memory_space<hbm>> -> memref<1x1x10240xf32, #tpu.memory_space<hbm>>
    %dma_start3A_108 = tpu.memref_squeeze %dma_start3A_107 : memref<1x1x10240xf32, #tpu.memory_space<hbm>> -> memref<10240xf32, #tpu.memory_space<hbm>>
    %dma_start3A_109 = arith.constant 0 : i32
    %dma_start3A_110 = tpu.memref_slice %arg5[%select_n3A_9, %add3A_105, %dma_start3A_109] : memref<2x64x10240xf32, #tpu.memory_space<hbm>> -> memref<1x1x10240xf32, #tpu.memory_space<hbm>>
    %dma_start3A_111 = tpu.memref_squeeze %dma_start3A_110 : memref<1x1x10240xf32, #tpu.memory_space<hbm>> -> memref<10240xf32, #tpu.memory_space<hbm>>
    tpu.enqueue_dma source(%arg10 : memref<10240xf32, #tpu.memory_space<vmem>>) target(%dma_start3A_111 : memref<10240xf32, #tpu.memory_space<hbm>>) target_semaphore(%arg18 : memref<!tpu.dma_semaphore, #tpu.memory_space<semaphore_mem>>)
    %add3A_112 = arith.constant 32 : i32
    %add3A_113 = arith.addi %add3A_112, %mul3A_32 : i32
    %add3A_114 = arith.constant 1 : i32
    %add3A_115 = arith.addi %add3A_113, %add3A_114 : i32
    %dma_start3A_116 = arith.constant 0 : i32
    %dma_start3A_117 = tpu.memref_slice %arg5[%select_n3A_9, %add3A_115, %dma_start3A_116] : memref<2x64x10240xf32, #tpu.memory_space<hbm>> -> memref<1x1x10240xf32, #tpu.memory_space<hbm>>
    %dma_start3A_118 = tpu.memref_squeeze %dma_start3A_117 : memref<1x1x10240xf32, #tpu.memory_space<hbm>> -> memref<10240xf32, #tpu.memory_space<hbm>>
    %dma_start3A_119 = arith.constant 0 : i32
    %dma_start3A_120 = tpu.memref_slice %arg5[%select_n3A_9, %add3A_115, %dma_start3A_119] : memref<2x64x10240xf32, #tpu.memory_space<hbm>> -> memref<1x1x10240xf32, #tpu.memory_space<hbm>>
    %dma_start3A_121 = tpu.memref_squeeze %dma_start3A_120 : memref<1x1x10240xf32, #tpu.memory_space<hbm>> -> memref<10240xf32, #tpu.memory_space<hbm>>
    tpu.enqueue_dma source(%arg11 : memref<10240xf32, #tpu.memory_space<vmem>>) target(%dma_start3A_121 : memref<10240xf32, #tpu.memory_space<hbm>>) target_semaphore(%arg18 : memref<!tpu.dma_semaphore, #tpu.memory_space<semaphore_mem>>)
    %add3A_122 = arith.constant 0 : i32
    %add3A_123 = arith.addi %mul3A_32, %add3A_122 : i32
    %dma_wait3A_124 = arith.constant 0 : i32
    %dma_wait3A_125 = tpu.memref_slice %arg5[%select_n3A_9, %add3A_123, %dma_wait3A_124] : memref<2x64x10240xf32, #tpu.memory_space<hbm>> -> memref<1x1x10240xf32, #tpu.memory_space<hbm>>
    %dma_wait3A_126 = tpu.memref_squeeze %dma_wait3A_125 : memref<1x1x10240xf32, #tpu.memory_space<hbm>> -> memref<10240xf32, #tpu.memory_space<hbm>>
    %dma_wait3A_127 = arith.constant 0 : i32
    %dma_wait3A_128 = tpu.memref_slice %arg5[%select_n3A_9, %add3A_123, %dma_wait3A_127] : memref<2x64x10240xf32, #tpu.memory_space<hbm>> -> memref<1x1x10240xf32, #tpu.memory_space<hbm>>
    %dma_wait3A_129 = tpu.memref_squeeze %dma_wait3A_128 : memref<1x1x10240xf32, #tpu.memory_space<hbm>> -> memref<10240xf32, #tpu.memory_space<hbm>>
    tpu.wait_dma2 semaphore(%arg18 : memref<!tpu.dma_semaphore, #tpu.memory_space<semaphore_mem>>) src(%arg8 : memref<10240xf32, #tpu.memory_space<vmem>>) dst(%dma_wait3A_129 : memref<10240xf32, #tpu.memory_space<hbm>>)
    %add3A_130 = arith.constant 32 : i32
    %add3A_131 = arith.addi %add3A_130, %mul3A_32 : i32
    %add3A_132 = arith.constant 0 : i32
    %add3A_133 = arith.addi %add3A_131, %add3A_132 : i32
    %dma_wait3A_134 = arith.constant 0 : i32
    %dma_wait3A_135 = tpu.memref_slice %arg5[%select_n3A_9, %add3A_133, %dma_wait3A_134] : memref<2x64x10240xf32, #tpu.memory_space<hbm>> -> memref<1x1x10240xf32, #tpu.memory_space<hbm>>
    %dma_wait3A_136 = tpu.memref_squeeze %dma_wait3A_135 : memref<1x1x10240xf32, #tpu.memory_space<hbm>> -> memref<10240xf32, #tpu.memory_space<hbm>>
    %dma_wait3A_137 = arith.constant 0 : i32
    %dma_wait3A_138 = tpu.memref_slice %arg5[%select_n3A_9, %add3A_133, %dma_wait3A_137] : memref<2x64x10240xf32, #tpu.memory_space<hbm>> -> memref<1x1x10240xf32, #tpu.memory_space<hbm>>
    %dma_wait3A_139 = tpu.memref_squeeze %dma_wait3A_138 : memref<1x1x10240xf32, #tpu.memory_space<hbm>> -> memref<10240xf32, #tpu.memory_space<hbm>>
    tpu.wait_dma2 semaphore(%arg18 : memref<!tpu.dma_semaphore, #tpu.memory_space<semaphore_mem>>) src(%arg9 : memref<10240xf32, #tpu.memory_space<vmem>>) dst(%dma_wait3A_139 : memref<10240xf32, #tpu.memory_space<hbm>>)
    %add3A_140 = arith.constant 1 : i32
    %add3A_141 = arith.addi %mul3A_32, %add3A_140 : i32
    %dma_wait3A_142 = arith.constant 0 : i32
    %dma_wait3A_143 = tpu.memref_slice %arg5[%select_n3A_9, %add3A_141, %dma_wait3A_142] : memref<2x64x10240xf32, #tpu.memory_space<hbm>> -> memref<1x1x10240xf32, #tpu.memory_space<hbm>>
    %dma_wait3A_144 = tpu.memref_squeeze %dma_wait3A_143 : memref<1x1x10240xf32, #tpu.memory_space<hbm>> -> memref<10240xf32, #tpu.memory_space<hbm>>
    %dma_wait3A_145 = arith.constant 0 : i32
    %dma_wait3A_146 = tpu.memref_slice %arg5[%select_n3A_9, %add3A_141, %dma_wait3A_145] : memref<2x64x10240xf32, #tpu.memory_space<hbm>> -> memref<1x1x10240xf32, #tpu.memory_space<hbm>>
    %dma_wait3A_147 = tpu.memref_squeeze %dma_wait3A_146 : memref<1x1x10240xf32, #tpu.memory_space<hbm>> -> memref<10240xf32, #tpu.memory_space<hbm>>
    tpu.wait_dma2 semaphore(%arg18 : memref<!tpu.dma_semaphore, #tpu.memory_space<semaphore_mem>>) src(%arg10 : memref<10240xf32, #tpu.memory_space<vmem>>) dst(%dma_wait3A_147 : memref<10240xf32, #tpu.memory_space<hbm>>)
    %add3A_148 = arith.constant 32 : i32
    %add3A_149 = arith.addi %add3A_148, %mul3A_32 : i32
    %add3A_150 = arith.constant 1 : i32
    %add3A_151 = arith.addi %add3A_149, %add3A_150 : i32
    %dma_wait3A_152 = arith.constant 0 : i32
    %dma_wait3A_153 = tpu.memref_slice %arg5[%select_n3A_9, %add3A_151, %dma_wait3A_152] : memref<2x64x10240xf32, #tpu.memory_space<hbm>> -> memref<1x1x10240xf32, #tpu.memory_space<hbm>>
    %dma_wait3A_154 = tpu.memref_squeeze %dma_wait3A_153 : memref<1x1x10240xf32, #tpu.memory_space<hbm>> -> memref<10240xf32, #tpu.memory_space<hbm>>
    %dma_wait3A_155 = arith.constant 0 : i32
    %dma_wait3A_156 = tpu.memref_slice %arg5[%select_n3A_9, %add3A_151, %dma_wait3A_155] : memref<2x64x10240xf32, #tpu.memory_space<hbm>> -> memref<1x1x10240xf32, #tpu.memory_space<hbm>>
    %dma_wait3A_157 = tpu.memref_squeeze %dma_wait3A_156 : memref<1x1x10240xf32, #tpu.memory_space<hbm>> -> memref<10240xf32, #tpu.memory_space<hbm>>
    tpu.wait_dma2 semaphore(%arg18 : memref<!tpu.dma_semaphore, #tpu.memory_space<semaphore_mem>>) src(%arg11 : memref<10240xf32, #tpu.memory_space<vmem>>) dst(%dma_wait3A_157 : memref<10240xf32, #tpu.memory_space<hbm>>)
    return
  }
}

#map = affine_map<(d0, d1) -> (0, 0)>
#map1 = affine_map<(d0, d1) -> (0)>
#map2 = affine_map<(d0, d1) -> (0, 0, 0)>
module attributes {stable_mosaic.version = 14 : i64} {
  func.func @msg_kernel(%arg0: i32, %arg1: i32, %arg2: memref<32x10240xi32, #tpu.memory_space<hbm>>, %arg3: memref<320000xi32, #tpu.memory_space<hbm>>, %arg4: memref<320000xf32, #tpu.memory_space<hbm>>, %arg5: memref<2x64x10240xf32, #tpu.memory_space<hbm>>, %arg6: memref<10240xi32, #tpu.memory_space<vmem>>, %arg7: memref<10240xi32, #tpu.memory_space<vmem>>, %arg8: memref<10240xf32, #tpu.memory_space<vmem>>, %arg9: memref<10240xf32, #tpu.memory_space<vmem>>, %arg10: memref<10240xf32, #tpu.memory_space<vmem>>, %arg11: memref<10240xf32, #tpu.memory_space<vmem>>, %arg12: memref<8000xi32, #tpu.memory_space<vmem>>, %arg13: memref<8000xf32, #tpu.memory_space<vmem>>, %arg14: memref<8000xi32, #tpu.memory_space<vmem>>, %arg15: memref<8000xf32, #tpu.memory_space<vmem>>, %arg16: memref<!tpu.dma_semaphore, #tpu.memory_space<semaphore_mem>>, %arg17: memref<!tpu.dma_semaphore, #tpu.memory_space<semaphore_mem>>, %arg18: memref<!tpu.dma_semaphore, #tpu.memory_space<semaphore_mem>>) attributes {dimension_semantics = [#tpu.dimension_semantics<core_parallel>, #tpu.dimension_semantics<subcore_parallel>], iteration_bounds = array<i64: 2, 16>, scalar_prefetch = 0 : i64, scratch_operands = 13 : i64, tpu.core_type = #tpu.core_type<sc_vector_subcore>, window_params = [{transform_indices = #map}, {transform_indices = #map1}, {transform_indices = #map1}, {transform_indices = #map2}]} {
    %mul3A = arith.constant 2 : i32
    %mul3A_0 = arith.muli %arg1, %mul3A : i32
    %add3A = arith.addi %mul3A_0, %arg0 : i32
    %jit3A = arith.constant 2 : i32
    %eq3A = arith.constant 0 : i32
    %eq3A_1 = arith.cmpi eq, %jit3A, %eq3A : i32
    %jit3A_2 = arith.constant 1 : i32
    %select_n3A = arith.select %eq3A_1, %jit3A_2, %jit3A : i32
    %rem3A = arith.remsi %add3A, %select_n3A : i32
    %ne3A = arith.constant 0 : i32
    %ne3A_3 = arith.cmpi ne, %rem3A, %ne3A : i32
    %lt3A = arith.constant 0 : i32
    %lt3A_4 = arith.cmpi slt, %rem3A, %lt3A : i32
    %lt3A_5 = arith.constant 0 : i32
    %lt3A_6 = arith.cmpi slt, %select_n3A, %lt3A_5 : i32
    %ne3A_7 = arith.xori %lt3A_4, %lt3A_6 : i1
    %and3A = arith.andi %ne3A_7, %ne3A_3 : i1
    %add3A_8 = arith.addi %rem3A, %select_n3A : i32
    %select_n3A_9 = arith.select %and3A, %add3A_8, %rem3A : i32
    %jit3A_10 = arith.constant 2 : i32
    %div3A = arith.divsi %add3A, %jit3A_10 : i32
    %sign3A = arith.constant 0 : i32
    %sign3A_11 = arith.cmpi sgt, %add3A, %sign3A : i32
    %sign3A_12 = arith.extui %sign3A_11 : i1 to i32
    %sign3A_13 = arith.constant 0 : i32
    %sign3A_14 = arith.cmpi slt, %add3A, %sign3A_13 : i32
    %sign3A_15 = arith.extui %sign3A_14 : i1 to i32
    %sign3A_16 = arith.subi %sign3A_12, %sign3A_15 : i32
    %sign3A_17 = arith.constant 0 : i32
    %sign3A_18 = arith.cmpi sgt, %jit3A_10, %sign3A_17 : i32
    %sign3A_19 = arith.extui %sign3A_18 : i1 to i32
    %sign3A_20 = arith.constant 0 : i32
    %sign3A_21 = arith.cmpi slt, %jit3A_10, %sign3A_20 : i32
    %sign3A_22 = arith.extui %sign3A_21 : i1 to i32
    %sign3A_23 = arith.subi %sign3A_19, %sign3A_22 : i32
    %ne3A_24 = arith.cmpi ne, %sign3A_16, %sign3A_23 : i32
    %rem3A_25 = arith.remsi %add3A, %jit3A_10 : i32
    %ne3A_26 = arith.constant 0 : i32
    %ne3A_27 = arith.cmpi ne, %rem3A_25, %ne3A_26 : i32
    %and3A_28 = arith.andi %ne3A_24, %ne3A_27 : i1
    %sub3A = arith.constant 1 : i32
    %sub3A_29 = arith.subi %div3A, %sub3A : i32
    %select_n3A_30 = arith.select %and3A_28, %sub3A_29, %div3A : i32
    %mul3A_31 = arith.constant 2 : i32
    %mul3A_32 = arith.muli %select_n3A_30, %mul3A_31 : i32
    %mul3A_33 = arith.constant 160000 : i32
    %mul3A_34 = arith.muli %select_n3A_9, %mul3A_33 : i32
    %add3A_35 = arith.constant 0 : i32
    %add3A_36 = arith.addi %mul3A_32, %add3A_35 : i32
    %dma_start3A = arith.constant 0 : i32
    %dma_start3A_37 = tpu.memref_slice %arg2[%add3A_36, %dma_start3A] : memref<32x10240xi32, #tpu.memory_space<hbm>> -> memref<1x10240xi32, #tpu.memory_space<hbm>>
    %dma_start3A_38 = tpu.memref_squeeze %dma_start3A_37 : memref<1x10240xi32, #tpu.memory_space<hbm>> -> memref<10240xi32, #tpu.memory_space<hbm>>
    %dma_start3A_39 = arith.constant 0 : i32
    %dma_start3A_40 = tpu.memref_slice %arg2[%add3A_36, %dma_start3A_39] : memref<32x10240xi32, #tpu.memory_space<hbm>> -> memref<1x10240xi32, #tpu.memory_space<hbm>>
    %dma_start3A_41 = tpu.memref_squeeze %dma_start3A_40 : memref<1x10240xi32, #tpu.memory_space<hbm>> -> memref<10240xi32, #tpu.memory_space<hbm>>
    tpu.enqueue_dma source(%dma_start3A_41 : memref<10240xi32, #tpu.memory_space<hbm>>) target(%arg6 : memref<10240xi32, #tpu.memory_space<vmem>>) target_semaphore(%arg18 : memref<!tpu.dma_semaphore, #tpu.memory_space<semaphore_mem>>)
    %add3A_42 = arith.constant 1 : i32
    %add3A_43 = arith.addi %mul3A_32, %add3A_42 : i32
    %dma_start3A_44 = arith.constant 0 : i32
    %dma_start3A_45 = tpu.memref_slice %arg2[%add3A_43, %dma_start3A_44] : memref<32x10240xi32, #tpu.memory_space<hbm>> -> memref<1x10240xi32, #tpu.memory_space<hbm>>
    %dma_start3A_46 = tpu.memref_squeeze %dma_start3A_45 : memref<1x10240xi32, #tpu.memory_space<hbm>> -> memref<10240xi32, #tpu.memory_space<hbm>>
    %dma_start3A_47 = arith.constant 0 : i32
    %dma_start3A_48 = tpu.memref_slice %arg2[%add3A_43, %dma_start3A_47] : memref<32x10240xi32, #tpu.memory_space<hbm>> -> memref<1x10240xi32, #tpu.memory_space<hbm>>
    %dma_start3A_49 = tpu.memref_squeeze %dma_start3A_48 : memref<1x10240xi32, #tpu.memory_space<hbm>> -> memref<10240xi32, #tpu.memory_space<hbm>>
    tpu.enqueue_dma source(%dma_start3A_49 : memref<10240xi32, #tpu.memory_space<hbm>>) target(%arg7 : memref<10240xi32, #tpu.memory_space<vmem>>) target_semaphore(%arg18 : memref<!tpu.dma_semaphore, #tpu.memory_space<semaphore_mem>>)
    %broadcast_in_dim3A = arith.constant 0.000000e+00 : f32
    %broadcast_in_dim3A_50 = vector.broadcast %broadcast_in_dim3A : f32 to vector<16xf32>
    %scan3A = arith.constant 0 : i32
    %scan3A_51 = arith.constant 0 : i32
    %scan3A_52 = arith.constant 640 : i32
    %scan3A_53 = arith.addi %scan3A_51, %scan3A_52 : i32
    %scan3A_54 = arith.constant 1 : i32
    scf.for %scan3A_158 = %scan3A_51 to %scan3A_53 step %scan3A_54  : i32 {
      %mul3A_159 = arith.constant 16 : i32
      %mul3A_160 = arith.muli %scan3A_158, %mul3A_159 : i32
      %swap3A = arith.index_cast %mul3A_160 : i32 to index
      %swap3A_161 = tpu.vector_load %arg8[%swap3A] {strides = array<i32>} : memref<10240xf32, #tpu.memory_space<vmem>>, vector<16xf32>,
      tpu.vector_store %arg8[%swap3A], %broadcast_in_dim3A_50 {strides = array<i32>} : memref<10240xf32, #tpu.memory_space<vmem>>, vector<16xf32>,
      %mul3A_162 = arith.constant 16 : i32
      %mul3A_163 = arith.muli %scan3A_158, %mul3A_162 : i32
      %swap3A_164 = arith.index_cast %mul3A_163 : i32 to index
      %swap3A_165 = tpu.vector_load %arg9[%swap3A_164] {strides = array<i32>} : memref<10240xf32, #tpu.memory_space<vmem>>, vector<16xf32>,
      tpu.vector_store %arg9[%swap3A_164], %broadcast_in_dim3A_50 {strides = array<i32>} : memref<10240xf32, #tpu.memory_space<vmem>>, vector<16xf32>,
      %mul3A_166 = arith.constant 16 : i32
      %mul3A_167 = arith.muli %scan3A_158, %mul3A_166 : i32
      %swap3A_168 = arith.index_cast %mul3A_167 : i32 to index
      %swap3A_169 = tpu.vector_load %arg10[%swap3A_168] {strides = array<i32>} : memref<10240xf32, #tpu.memory_space<vmem>>, vector<16xf32>,
      tpu.vector_store %arg10[%swap3A_168], %broadcast_in_dim3A_50 {strides = array<i32>} : memref<10240xf32, #tpu.memory_space<vmem>>, vector<16xf32>,
      %mul3A_170 = arith.constant 16 : i32
      %mul3A_171 = arith.muli %scan3A_158, %mul3A_170 : i32
      %swap3A_172 = arith.index_cast %mul3A_171 : i32 to index
      %swap3A_173 = tpu.vector_load %arg11[%swap3A_172] {strides = array<i32>} : memref<10240xf32, #tpu.memory_space<vmem>>, vector<16xf32>,
      tpu.vector_store %arg11[%swap3A_172], %broadcast_in_dim3A_50 {strides = array<i32>} : memref<10240xf32, #tpu.memory_space<vmem>>, vector<16xf32>,
    }
    %scan3A_55 = arith.constant 640 : i32
    %add3A_56 = arith.constant 0 : i32
    %add3A_57 = arith.addi %mul3A_32, %add3A_56 : i32
    %dma_wait3A = arith.constant 0 : i32
    %dma_wait3A_58 = tpu.memref_slice %arg2[%add3A_57, %dma_wait3A] : memref<32x10240xi32, #tpu.memory_space<hbm>> -> memref<1x10240xi32, #tpu.memory_space<hbm>>
    %dma_wait3A_59 = tpu.memref_squeeze %dma_wait3A_58 : memref<1x10240xi32, #tpu.memory_space<hbm>> -> memref<10240xi32, #tpu.memory_space<hbm>>
    %dma_wait3A_60 = arith.constant 0 : i32
    %dma_wait3A_61 = tpu.memref_slice %arg2[%add3A_57, %dma_wait3A_60] : memref<32x10240xi32, #tpu.memory_space<hbm>> -> memref<1x10240xi32, #tpu.memory_space<hbm>>
    %dma_wait3A_62 = tpu.memref_squeeze %dma_wait3A_61 : memref<1x10240xi32, #tpu.memory_space<hbm>> -> memref<10240xi32, #tpu.memory_space<hbm>>
    tpu.wait_dma2 semaphore(%arg18 : memref<!tpu.dma_semaphore, #tpu.memory_space<semaphore_mem>>) src(%dma_wait3A_62 : memref<10240xi32, #tpu.memory_space<hbm>>) dst(%arg6 : memref<10240xi32, #tpu.memory_space<vmem>>)
    %add3A_63 = arith.constant 1 : i32
    %add3A_64 = arith.addi %mul3A_32, %add3A_63 : i32
    %dma_wait3A_65 = arith.constant 0 : i32
    %dma_wait3A_66 = tpu.memref_slice %arg2[%add3A_64, %dma_wait3A_65] : memref<32x10240xi32, #tpu.memory_space<hbm>> -> memref<1x10240xi32, #tpu.memory_space<hbm>>
    %dma_wait3A_67 = tpu.memref_squeeze %dma_wait3A_66 : memref<1x10240xi32, #tpu.memory_space<hbm>> -> memref<10240xi32, #tpu.memory_space<hbm>>
    %dma_wait3A_68 = arith.constant 0 : i32
    %dma_wait3A_69 = tpu.memref_slice %arg2[%add3A_64, %dma_wait3A_68] : memref<32x10240xi32, #tpu.memory_space<hbm>> -> memref<1x10240xi32, #tpu.memory_space<hbm>>
    %dma_wait3A_70 = tpu.memref_squeeze %dma_wait3A_69 : memref<1x10240xi32, #tpu.memory_space<hbm>> -> memref<10240xi32, #tpu.memory_space<hbm>>
    tpu.wait_dma2 semaphore(%arg18 : memref<!tpu.dma_semaphore, #tpu.memory_space<semaphore_mem>>) src(%dma_wait3A_70 : memref<10240xi32, #tpu.memory_space<hbm>>) dst(%arg7 : memref<10240xi32, #tpu.memory_space<vmem>>)
    %add3A_71 = arith.constant 0 : i32
    %add3A_72 = arith.addi %mul3A_34, %add3A_71 : i32
    %dma_start3A_73 = tpu.memref_slice %arg3[%add3A_72] : memref<320000xi32, #tpu.memory_space<hbm>> -> memref<8000xi32, #tpu.memory_space<hbm>>
    %dma_start3A_74 = tpu.memref_slice %arg3[%add3A_72] : memref<320000xi32, #tpu.memory_space<hbm>> -> memref<8000xi32, #tpu.memory_space<hbm>>
    tpu.enqueue_dma source(%dma_start3A_74 : memref<8000xi32, #tpu.memory_space<hbm>>) target(%arg12 : memref<8000xi32, #tpu.memory_space<vmem>>) target_semaphore(%arg16 : memref<!tpu.dma_semaphore, #tpu.memory_space<semaphore_mem>>)
    %dma_start3A_75 = tpu.memref_slice %arg4[%add3A_72] : memref<320000xf32, #tpu.memory_space<hbm>> -> memref<8000xf32, #tpu.memory_space<hbm>>
    %dma_start3A_76 = tpu.memref_slice %arg4[%add3A_72] : memref<320000xf32, #tpu.memory_space<hbm>> -> memref<8000xf32, #tpu.memory_space<hbm>>
    tpu.enqueue_dma source(%dma_start3A_76 : memref<8000xf32, #tpu.memory_space<hbm>>) target(%arg13 : memref<8000xf32, #tpu.memory_space<vmem>>) target_semaphore(%arg16 : memref<!tpu.dma_semaphore, #tpu.memory_space<semaphore_mem>>)
    %scan3A_77 = arith.constant 0 : i32
    %scan3A_78 = arith.constant 65535 : i32
    %scan3A_79 = arith.constant 16 : i32
    %scan3A_80 = arith.constant -65536 : i32
    %scan3A_81 = arith.constant 0 : i32
    %scan3A_82 = arith.constant 10 : i32
    %scan3A_83 = arith.addi %scan3A_81, %scan3A_82 : i32
    %scan3A_84 = arith.constant 1 : i32
    scf.for %scan3A_158 = %scan3A_81 to %scan3A_83 step %scan3A_84  : i32 {
      %mul3A_159 = arith.constant 2 : i32
      %mul3A_160 = arith.muli %mul3A_159, %scan3A_158 : i32
      %add3A_161 = arith.constant 1 : i32
      %add3A_162 = arith.addi %mul3A_160, %add3A_161 : i32
      %mul3A_163 = arith.constant 8000 : i32
      %mul3A_164 = arith.muli %add3A_162, %mul3A_163 : i32
      %add3A_165 = arith.addi %mul3A_34, %mul3A_164 : i32
      %dma_start3A_166 = tpu.memref_slice %arg3[%add3A_165] : memref<320000xi32, #tpu.memory_space<hbm>> -> memref<8000xi32, #tpu.memory_space<hbm>>
      %dma_start3A_167 = tpu.memref_slice %arg3[%add3A_165] : memref<320000xi32, #tpu.memory_space<hbm>> -> memref<8000xi32, #tpu.memory_space<hbm>>
      tpu.enqueue_dma source(%dma_start3A_167 : memref<8000xi32, #tpu.memory_space<hbm>>) target(%arg14 : memref<8000xi32, #tpu.memory_space<vmem>>) target_semaphore(%arg17 : memref<!tpu.dma_semaphore, #tpu.memory_space<semaphore_mem>>)
      %dma_start3A_168 = tpu.memref_slice %arg4[%add3A_165] : memref<320000xf32, #tpu.memory_space<hbm>> -> memref<8000xf32, #tpu.memory_space<hbm>>
      %dma_start3A_169 = tpu.memref_slice %arg4[%add3A_165] : memref<320000xf32, #tpu.memory_space<hbm>> -> memref<8000xf32, #tpu.memory_space<hbm>>
      tpu.enqueue_dma source(%dma_start3A_169 : memref<8000xf32, #tpu.memory_space<hbm>>) target(%arg15 : memref<8000xf32, #tpu.memory_space<vmem>>) target_semaphore(%arg17 : memref<!tpu.dma_semaphore, #tpu.memory_space<semaphore_mem>>)
      %dma_wait3A_170 = arith.constant 0 : i32
      %dma_wait3A_171 = tpu.memref_slice %arg3[%dma_wait3A_170] : memref<320000xi32, #tpu.memory_space<hbm>> -> memref<8000xi32, #tpu.memory_space<hbm>>
      %dma_wait3A_172 = arith.constant 0 : i32
      %dma_wait3A_173 = tpu.memref_slice %arg3[%dma_wait3A_172] : memref<320000xi32, #tpu.memory_space<hbm>> -> memref<8000xi32, #tpu.memory_space<hbm>>
      tpu.wait_dma2 semaphore(%arg16 : memref<!tpu.dma_semaphore, #tpu.memory_space<semaphore_mem>>) src(%dma_wait3A_173 : memref<8000xi32, #tpu.memory_space<hbm>>) dst(%arg12 : memref<8000xi32, #tpu.memory_space<vmem>>)
      %dma_wait3A_174 = arith.constant 0 : i32
      %dma_wait3A_175 = tpu.memref_slice %arg4[%dma_wait3A_174] : memref<320000xf32, #tpu.memory_space<hbm>> -> memref<8000xf32, #tpu.memory_space<hbm>>
      %dma_wait3A_176 = arith.constant 0 : i32
      %dma_wait3A_177 = tpu.memref_slice %arg4[%dma_wait3A_176] : memref<320000xf32, #tpu.memory_space<hbm>> -> memref<8000xf32, #tpu.memory_space<hbm>>
      tpu.wait_dma2 semaphore(%arg16 : memref<!tpu.dma_semaphore, #tpu.memory_space<semaphore_mem>>) src(%dma_wait3A_177 : memref<8000xf32, #tpu.memory_space<hbm>>) dst(%arg13 : memref<8000xf32, #tpu.memory_space<vmem>>)
      %parallel_loop3A = arith.constant 0 : i32
      %parallel_loop3A_178 = arith.constant 500 : i32
      %parallel_loop3A_179 = arith.constant 1 : i32
      scf.for %parallel_loop3A_194 = %parallel_loop3A to %parallel_loop3A_178 step %parallel_loop3A_179  : i32 {
        %parallel_loop3A_195 = arith.constant 16 : i32
        %parallel_loop3A_196 = arith.muli %parallel_loop3A_194, %parallel_loop3A_195 : i32
        %parallel_loop3A_197 = arith.index_cast %parallel_loop3A_196 : i32 to index
        %parallel_loop3A_198 = tpu.vector_load %arg12[%parallel_loop3A_197] {strides = array<i32>} : memref<8000xi32, #tpu.memory_space<vmem>>, vector<16xi32>,
        %parallel_loop3A_199 = arith.index_cast %parallel_loop3A_196 : i32 to index
        %parallel_loop3A_200 = tpu.vector_load %arg13[%parallel_loop3A_199] {strides = array<i32>} : memref<8000xf32, #tpu.memory_space<vmem>>, vector<16xf32>,
        %parallel_loop3A_201 = vector.broadcast %scan3A_78 : i32 to vector<16xi32>
        %parallel_loop3A_202 = arith.andi %parallel_loop3A_198, %parallel_loop3A_201 : vector<16xi32>
        %parallel_loop3A_203 = vector.broadcast %scan3A_79 : i32 to vector<16xi32>
        %parallel_loop3A_204 = arith.shrui %parallel_loop3A_198, %parallel_loop3A_203 : vector<16xi32>
        %parallel_loop3A_205 = tpu.vector_load_idx %arg6[%parallel_loop3A_202] : memref<10240xi32, #tpu.memory_space<vmem>>[vector<16xi32>], vector<16xi32>,
        %parallel_loop3A_206 = vector.broadcast %scan3A_79 : i32 to vector<16xi32>
        %parallel_loop3A_207 = arith.shli %parallel_loop3A_205, %parallel_loop3A_206 : vector<16xi32>
        %parallel_loop3A_208 = vector.bitcast %parallel_loop3A_207 : vector<16xi32> to vector<16xf32>
        %parallel_loop3A_209 = vector.broadcast %scan3A_80 : i32 to vector<16xi32>
        %parallel_loop3A_210 = arith.andi %parallel_loop3A_205, %parallel_loop3A_209 : vector<16xi32>
        %parallel_loop3A_211 = vector.bitcast %parallel_loop3A_210 : vector<16xi32> to vector<16xf32>
        %parallel_loop3A_212 = arith.mulf %parallel_loop3A_208, %parallel_loop3A_200 : vector<16xf32>
        tpu.vector_store_idx %arg8[%parallel_loop3A_204], %parallel_loop3A_212 {add = true} : memref<10240xf32, #tpu.memory_space<vmem>>[vector<16xi32>], vector<16xf32>,
        %parallel_loop3A_213 = arith.mulf %parallel_loop3A_211, %parallel_loop3A_200 : vector<16xf32>
        tpu.vector_store_idx %arg9[%parallel_loop3A_204], %parallel_loop3A_213 {add = true} : memref<10240xf32, #tpu.memory_space<vmem>>[vector<16xi32>], vector<16xf32>,
        %parallel_loop3A_214 = tpu.vector_load_idx %arg7[%parallel_loop3A_202] : memref<10240xi32, #tpu.memory_space<vmem>>[vector<16xi32>], vector<16xi32>,
        %parallel_loop3A_215 = vector.broadcast %scan3A_79 : i32 to vector<16xi32>
        %parallel_loop3A_216 = arith.shli %parallel_loop3A_214, %parallel_loop3A_215 : vector<16xi32>
        %parallel_loop3A_217 = vector.bitcast %parallel_loop3A_216 : vector<16xi32> to vector<16xf32>
        %parallel_loop3A_218 = vector.broadcast %scan3A_80 : i32 to vector<16xi32>
        %parallel_loop3A_219 = arith.andi %parallel_loop3A_214, %parallel_loop3A_218 : vector<16xi32>
        %parallel_loop3A_220 = vector.bitcast %parallel_loop3A_219 : vector<16xi32> to vector<16xf32>
        %parallel_loop3A_221 = arith.mulf %parallel_loop3A_217, %parallel_loop3A_200 : vector<16xf32>
        tpu.vector_store_idx %arg10[%parallel_loop3A_204], %parallel_loop3A_221 {add = true} : memref<10240xf32, #tpu.memory_space<vmem>>[vector<16xi32>], vector<16xf32>,
        %parallel_loop3A_222 = arith.mulf %parallel_loop3A_220, %parallel_loop3A_200 : vector<16xf32>
        tpu.vector_store_idx %arg11[%parallel_loop3A_204], %parallel_loop3A_222 {add = true} : memref<10240xf32, #tpu.memory_space<vmem>>[vector<16xi32>], vector<16xf32>,
      } {sc.loop_unroll_factor = 2 : i64, sc.parallel_access}
      %lt3A_180 = arith.constant 9 : i32
      %lt3A_181 = arith.cmpi slt, %scan3A_158, %lt3A_180 : i32
      %convert_element_type3A = arith.extui %lt3A_181 : i1 to i32
      %cond3A = arith.constant 0 : i32
      %cond3A_182 = arith.cmpi ne, %convert_element_type3A, %cond3A : i32
      scf.if %cond3A_182 {
        %mul3A_194 = arith.constant 2 : i32
        %mul3A_195 = arith.muli %mul3A_194, %scan3A_158 : i32
        %add3A_196 = arith.constant 2 : i32
        %add3A_197 = arith.addi %mul3A_195, %add3A_196 : i32
        %mul3A_198 = arith.constant 8000 : i32
        %mul3A_199 = arith.muli %add3A_197, %mul3A_198 : i32
        %add3A_200 = arith.addi %mul3A_34, %mul3A_199 : i32
        %dma_start3A_201 = tpu.memref_slice %arg3[%add3A_200] : memref<320000xi32, #tpu.memory_space<hbm>> -> memref<8000xi32, #tpu.memory_space<hbm>>
        %dma_start3A_202 = tpu.memref_slice %arg3[%add3A_200] : memref<320000xi32, #tpu.memory_space<hbm>> -> memref<8000xi32, #tpu.memory_space<hbm>>
        tpu.enqueue_dma source(%dma_start3A_202 : memref<8000xi32, #tpu.memory_space<hbm>>) target(%arg12 : memref<8000xi32, #tpu.memory_space<vmem>>) target_semaphore(%arg16 : memref<!tpu.dma_semaphore, #tpu.memory_space<semaphore_mem>>)
        %dma_start3A_203 = tpu.memref_slice %arg4[%add3A_200] : memref<320000xf32, #tpu.memory_space<hbm>> -> memref<8000xf32, #tpu.memory_space<hbm>>
        %dma_start3A_204 = tpu.memref_slice %arg4[%add3A_200] : memref<320000xf32, #tpu.memory_space<hbm>> -> memref<8000xf32, #tpu.memory_space<hbm>>
        tpu.enqueue_dma source(%dma_start3A_204 : memref<8000xf32, #tpu.memory_space<hbm>>) target(%arg13 : memref<8000xf32, #tpu.memory_space<vmem>>) target_semaphore(%arg16 : memref<!tpu.dma_semaphore, #tpu.memory_space<semaphore_mem>>)
      } else {
      }
      %dma_wait3A_183 = arith.constant 0 : i32
      %dma_wait3A_184 = tpu.memref_slice %arg3[%dma_wait3A_183] : memref<320000xi32, #tpu.memory_space<hbm>> -> memref<8000xi32, #tpu.memory_space<hbm>>
      %dma_wait3A_185 = arith.constant 0 : i32
      %dma_wait3A_186 = tpu.memref_slice %arg3[%dma_wait3A_185] : memref<320000xi32, #tpu.memory_space<hbm>> -> memref<8000xi32, #tpu.memory_space<hbm>>
      tpu.wait_dma2 semaphore(%arg17 : memref<!tpu.dma_semaphore, #tpu.memory_space<semaphore_mem>>) src(%dma_wait3A_186 : memref<8000xi32, #tpu.memory_space<hbm>>) dst(%arg14 : memref<8000xi32, #tpu.memory_space<vmem>>)
      %dma_wait3A_187 = arith.constant 0 : i32
      %dma_wait3A_188 = tpu.memref_slice %arg4[%dma_wait3A_187] : memref<320000xf32, #tpu.memory_space<hbm>> -> memref<8000xf32, #tpu.memory_space<hbm>>
      %dma_wait3A_189 = arith.constant 0 : i32
      %dma_wait3A_190 = tpu.memref_slice %arg4[%dma_wait3A_189] : memref<320000xf32, #tpu.memory_space<hbm>> -> memref<8000xf32, #tpu.memory_space<hbm>>
      tpu.wait_dma2 semaphore(%arg17 : memref<!tpu.dma_semaphore, #tpu.memory_space<semaphore_mem>>) src(%dma_wait3A_190 : memref<8000xf32, #tpu.memory_space<hbm>>) dst(%arg15 : memref<8000xf32, #tpu.memory_space<vmem>>)
      %parallel_loop3A_191 = arith.constant 0 : i32
      %parallel_loop3A_192 = arith.constant 500 : i32
      %parallel_loop3A_193 = arith.constant 1 : i32
      scf.for %parallel_loop3A_194 = %parallel_loop3A_191 to %parallel_loop3A_192 step %parallel_loop3A_193  : i32 {
        %parallel_loop3A_195 = arith.constant 16 : i32
        %parallel_loop3A_196 = arith.muli %parallel_loop3A_194, %parallel_loop3A_195 : i32
        %parallel_loop3A_197 = arith.index_cast %parallel_loop3A_196 : i32 to index
        %parallel_loop3A_198 = tpu.vector_load %arg14[%parallel_loop3A_197] {strides = array<i32>} : memref<8000xi32, #tpu.memory_space<vmem>>, vector<16xi32>,
        %parallel_loop3A_199 = arith.index_cast %parallel_loop3A_196 : i32 to index
        %parallel_loop3A_200 = tpu.vector_load %arg15[%parallel_loop3A_199] {strides = array<i32>} : memref<8000xf32, #tpu.memory_space<vmem>>, vector<16xf32>,
        %parallel_loop3A_201 = vector.broadcast %scan3A_78 : i32 to vector<16xi32>
        %parallel_loop3A_202 = arith.andi %parallel_loop3A_198, %parallel_loop3A_201 : vector<16xi32>
        %parallel_loop3A_203 = vector.broadcast %scan3A_79 : i32 to vector<16xi32>
        %parallel_loop3A_204 = arith.shrui %parallel_loop3A_198, %parallel_loop3A_203 : vector<16xi32>
        %parallel_loop3A_205 = tpu.vector_load_idx %arg6[%parallel_loop3A_202] : memref<10240xi32, #tpu.memory_space<vmem>>[vector<16xi32>], vector<16xi32>,
        %parallel_loop3A_206 = vector.broadcast %scan3A_79 : i32 to vector<16xi32>
        %parallel_loop3A_207 = arith.shli %parallel_loop3A_205, %parallel_loop3A_206 : vector<16xi32>
        %parallel_loop3A_208 = vector.bitcast %parallel_loop3A_207 : vector<16xi32> to vector<16xf32>
        %parallel_loop3A_209 = vector.broadcast %scan3A_80 : i32 to vector<16xi32>
        %parallel_loop3A_210 = arith.andi %parallel_loop3A_205, %parallel_loop3A_209 : vector<16xi32>
        %parallel_loop3A_211 = vector.bitcast %parallel_loop3A_210 : vector<16xi32> to vector<16xf32>
        %parallel_loop3A_212 = arith.mulf %parallel_loop3A_208, %parallel_loop3A_200 : vector<16xf32>
        tpu.vector_store_idx %arg8[%parallel_loop3A_204], %parallel_loop3A_212 {add = true} : memref<10240xf32, #tpu.memory_space<vmem>>[vector<16xi32>], vector<16xf32>,
        %parallel_loop3A_213 = arith.mulf %parallel_loop3A_211, %parallel_loop3A_200 : vector<16xf32>
        tpu.vector_store_idx %arg9[%parallel_loop3A_204], %parallel_loop3A_213 {add = true} : memref<10240xf32, #tpu.memory_space<vmem>>[vector<16xi32>], vector<16xf32>,
        %parallel_loop3A_214 = tpu.vector_load_idx %arg7[%parallel_loop3A_202] : memref<10240xi32, #tpu.memory_space<vmem>>[vector<16xi32>], vector<16xi32>,
        %parallel_loop3A_215 = vector.broadcast %scan3A_79 : i32 to vector<16xi32>
        %parallel_loop3A_216 = arith.shli %parallel_loop3A_214, %parallel_loop3A_215 : vector<16xi32>
        %parallel_loop3A_217 = vector.bitcast %parallel_loop3A_216 : vector<16xi32> to vector<16xf32>
        %parallel_loop3A_218 = vector.broadcast %scan3A_80 : i32 to vector<16xi32>
        %parallel_loop3A_219 = arith.andi %parallel_loop3A_214, %parallel_loop3A_218 : vector<16xi32>
        %parallel_loop3A_220 = vector.bitcast %parallel_loop3A_219 : vector<16xi32> to vector<16xf32>
        %parallel_loop3A_221 = arith.mulf %parallel_loop3A_217, %parallel_loop3A_200 : vector<16xf32>
        tpu.vector_store_idx %arg10[%parallel_loop3A_204], %parallel_loop3A_221 {add = true} : memref<10240xf32, #tpu.memory_space<vmem>>[vector<16xi32>], vector<16xf32>,
        %parallel_loop3A_222 = arith.mulf %parallel_loop3A_220, %parallel_loop3A_200 : vector<16xf32>
        tpu.vector_store_idx %arg11[%parallel_loop3A_204], %parallel_loop3A_222 {add = true} : memref<10240xf32, #tpu.memory_space<vmem>>[vector<16xi32>], vector<16xf32>,
      } {sc.loop_unroll_factor = 2 : i64, sc.parallel_access}
    }
    %scan3A_85 = arith.constant 10 : i32
    %add3A_86 = arith.constant 0 : i32
    %add3A_87 = arith.addi %mul3A_32, %add3A_86 : i32
    %dma_start3A_88 = arith.constant 0 : i32
    %dma_start3A_89 = tpu.memref_slice %arg5[%select_n3A_9, %add3A_87, %dma_start3A_88] : memref<2x64x10240xf32, #tpu.memory_space<hbm>> -> memref<1x1x10240xf32, #tpu.memory_space<hbm>>
    %dma_start3A_90 = tpu.memref_squeeze %dma_start3A_89 : memref<1x1x10240xf32, #tpu.memory_space<hbm>> -> memref<10240xf32, #tpu.memory_space<hbm>>
    %dma_start3A_91 = arith.constant 0 : i32
    %dma_start3A_92 = tpu.memref_slice %arg5[%select_n3A_9, %add3A_87, %dma_start3A_91] : memref<2x64x10240xf32, #tpu.memory_space<hbm>> -> memref<1x1x10240xf32, #tpu.memory_space<hbm>>
    %dma_start3A_93 = tpu.memref_squeeze %dma_start3A_92 : memref<1x1x10240xf32, #tpu.memory_space<hbm>> -> memref<10240xf32, #tpu.memory_space<hbm>>
    tpu.enqueue_dma source(%arg8 : memref<10240xf32, #tpu.memory_space<vmem>>) target(%dma_start3A_93 : memref<10240xf32, #tpu.memory_space<hbm>>) target_semaphore(%arg18 : memref<!tpu.dma_semaphore, #tpu.memory_space<semaphore_mem>>)
    %add3A_94 = arith.constant 32 : i32
    %add3A_95 = arith.addi %add3A_94, %mul3A_32 : i32
    %add3A_96 = arith.constant 0 : i32
    %add3A_97 = arith.addi %add3A_95, %add3A_96 : i32
    %dma_start3A_98 = arith.constant 0 : i32
    %dma_start3A_99 = tpu.memref_slice %arg5[%select_n3A_9, %add3A_97, %dma_start3A_98] : memref<2x64x10240xf32, #tpu.memory_space<hbm>> -> memref<1x1x10240xf32, #tpu.memory_space<hbm>>
    %dma_start3A_100 = tpu.memref_squeeze %dma_start3A_99 : memref<1x1x10240xf32, #tpu.memory_space<hbm>> -> memref<10240xf32, #tpu.memory_space<hbm>>
    %dma_start3A_101 = arith.constant 0 : i32
    %dma_start3A_102 = tpu.memref_slice %arg5[%select_n3A_9, %add3A_97, %dma_start3A_101] : memref<2x64x10240xf32, #tpu.memory_space<hbm>> -> memref<1x1x10240xf32, #tpu.memory_space<hbm>>
    %dma_start3A_103 = tpu.memref_squeeze %dma_start3A_102 : memref<1x1x10240xf32, #tpu.memory_space<hbm>> -> memref<10240xf32, #tpu.memory_space<hbm>>
    tpu.enqueue_dma source(%arg9 : memref<10240xf32, #tpu.memory_space<vmem>>) target(%dma_start3A_103 : memref<10240xf32, #tpu.memory_space<hbm>>) target_semaphore(%arg18 : memref<!tpu.dma_semaphore, #tpu.memory_space<semaphore_mem>>)
    %add3A_104 = arith.constant 1 : i32
    %add3A_105 = arith.addi %mul3A_32, %add3A_104 : i32
    %dma_start3A_106 = arith.constant 0 : i32
    %dma_start3A_107 = tpu.memref_slice %arg5[%select_n3A_9, %add3A_105, %dma_start3A_106] : memref<2x64x10240xf32, #tpu.memory_space<hbm>> -> memref<1x1x10240xf32, #tpu.memory_space<hbm>>
    %dma_start3A_108 = tpu.memref_squeeze %dma_start3A_107 : memref<1x1x10240xf32, #tpu.memory_space<hbm>> -> memref<10240xf32, #tpu.memory_space<hbm>>
    %dma_start3A_109 = arith.constant 0 : i32
    %dma_start3A_110 = tpu.memref_slice %arg5[%select_n3A_9, %add3A_105, %dma_start3A_109] : memref<2x64x10240xf32, #tpu.memory_space<hbm>> -> memref<1x1x10240xf32, #tpu.memory_space<hbm>>
    %dma_start3A_111 = tpu.memref_squeeze %dma_start3A_110 : memref<1x1x10240xf32, #tpu.memory_space<hbm>> -> memref<10240xf32, #tpu.memory_space<hbm>>
    tpu.enqueue_dma source(%arg10 : memref<10240xf32, #tpu.memory_space<vmem>>) target(%dma_start3A_111 : memref<10240xf32, #tpu.memory_space<hbm>>) target_semaphore(%arg18 : memref<!tpu.dma_semaphore, #tpu.memory_space<semaphore_mem>>)
    %add3A_112 = arith.constant 32 : i32
    %add3A_113 = arith.addi %add3A_112, %mul3A_32 : i32
    %add3A_114 = arith.constant 1 : i32
    %add3A_115 = arith.addi %add3A_113, %add3A_114 : i32
    %dma_start3A_116 = arith.constant 0 : i32
    %dma_start3A_117 = tpu.memref_slice %arg5[%select_n3A_9, %add3A_115, %dma_start3A_116] : memref<2x64x10240xf32, #tpu.memory_space<hbm>> -> memref<1x1x10240xf32, #tpu.memory_space<hbm>>
    %dma_start3A_118 = tpu.memref_squeeze %dma_start3A_117 : memref<1x1x10240xf32, #tpu.memory_space<hbm>> -> memref<10240xf32, #tpu.memory_space<hbm>>
    %dma_start3A_119 = arith.constant 0 : i32
    %dma_start3A_120 = tpu.memref_slice %arg5[%select_n3A_9, %add3A_115, %dma_start3A_119] : memref<2x64x10240xf32, #tpu.memory_space<hbm>> -> memref<1x1x10240xf32, #tpu.memory_space<hbm>>
    %dma_start3A_121 = tpu.memref_squeeze %dma_start3A_120 : memref<1x1x10240xf32, #tpu.memory_space<hbm>> -> memref<10240xf32, #tpu.memory_space<hbm>>
    tpu.enqueue_dma source(%arg11 : memref<10240xf32, #tpu.memory_space<vmem>>) target(%dma_start3A_121 : memref<10240xf32, #tpu.memory_space<hbm>>) target_semaphore(%arg18 : memref<!tpu.dma_semaphore, #tpu.memory_space<semaphore_mem>>)
    %add3A_122 = arith.constant 0 : i32
    %add3A_123 = arith.addi %mul3A_32, %add3A_122 : i32
    %dma_wait3A_124 = arith.constant 0 : i32
    %dma_wait3A_125 = tpu.memref_slice %arg5[%select_n3A_9, %add3A_123, %dma_wait3A_124] : memref<2x64x10240xf32, #tpu.memory_space<hbm>> -> memref<1x1x10240xf32, #tpu.memory_space<hbm>>
    %dma_wait3A_126 = tpu.memref_squeeze %dma_wait3A_125 : memref<1x1x10240xf32, #tpu.memory_space<hbm>> -> memref<10240xf32, #tpu.memory_space<hbm>>
    %dma_wait3A_127 = arith.constant 0 : i32
    %dma_wait3A_128 = tpu.memref_slice %arg5[%select_n3A_9, %add3A_123, %dma_wait3A_127] : memref<2x64x10240xf32, #tpu.memory_space<hbm>> -> memref<1x1x10240xf32, #tpu.memory_space<hbm>>
    %dma_wait3A_129 = tpu.memref_squeeze %dma_wait3A_128 : memref<1x1x10240xf32, #tpu.memory_space<hbm>> -> memref<10240xf32, #tpu.memory_space<hbm>>
    tpu.wait_dma2 semaphore(%arg18 : memref<!tpu.dma_semaphore, #tpu.memory_space<semaphore_mem>>) src(%arg8 : memref<10240xf32, #tpu.memory_space<vmem>>) dst(%dma_wait3A_129 : memref<10240xf32, #tpu.memory_space<hbm>>)
    %add3A_130 = arith.constant 32 : i32
    %add3A_131 = arith.addi %add3A_130, %mul3A_32 : i32
    %add3A_132 = arith.constant 0 : i32
    %add3A_133 = arith.addi %add3A_131, %add3A_132 : i32
    %dma_wait3A_134 = arith.constant 0 : i32
    %dma_wait3A_135 = tpu.memref_slice %arg5[%select_n3A_9, %add3A_133, %dma_wait3A_134] : memref<2x64x10240xf32, #tpu.memory_space<hbm>> -> memref<1x1x10240xf32, #tpu.memory_space<hbm>>
    %dma_wait3A_136 = tpu.memref_squeeze %dma_wait3A_135 : memref<1x1x10240xf32, #tpu.memory_space<hbm>> -> memref<10240xf32, #tpu.memory_space<hbm>>
    %dma_wait3A_137 = arith.constant 0 : i32
    %dma_wait3A_138 = tpu.memref_slice %arg5[%select_n3A_9, %add3A_133, %dma_wait3A_137] : memref<2x64x10240xf32, #tpu.memory_space<hbm>> -> memref<1x1x10240xf32, #tpu.memory_space<hbm>>
    %dma_wait3A_139 = tpu.memref_squeeze %dma_wait3A_138 : memref<1x1x10240xf32, #tpu.memory_space<hbm>> -> memref<10240xf32, #tpu.memory_space<hbm>>
    tpu.wait_dma2 semaphore(%arg18 : memref<!tpu.dma_semaphore, #tpu.memory_space<semaphore_mem>>) src(%arg9 : memref<10240xf32, #tpu.memory_space<vmem>>) dst(%dma_wait3A_139 : memref<10240xf32, #tpu.memory_space<hbm>>)
    %add3A_140 = arith.constant 1 : i32
    %add3A_141 = arith.addi %mul3A_32, %add3A_140 : i32
    %dma_wait3A_142 = arith.constant 0 : i32
    %dma_wait3A_143 = tpu.memref_slice %arg5[%select_n3A_9, %add3A_141, %dma_wait3A_142] : memref<2x64x10240xf32, #tpu.memory_space<hbm>> -> memref<1x1x10240xf32, #tpu.memory_space<hbm>>
    %dma_wait3A_144 = tpu.memref_squeeze %dma_wait3A_143 : memref<1x1x10240xf32, #tpu.memory_space<hbm>> -> memref<10240xf32, #tpu.memory_space<hbm>>
    %dma_wait3A_145 = arith.constant 0 : i32
    %dma_wait3A_146 = tpu.memref_slice %arg5[%select_n3A_9, %add3A_141, %dma_wait3A_145] : memref<2x64x10240xf32, #tpu.memory_space<hbm>> -> memref<1x1x10240xf32, #tpu.memory_space<hbm>>
    %dma_wait3A_147 = tpu.memref_squeeze %dma_wait3A_146 : memref<1x1x10240xf32, #tpu.memory_space<hbm>> -> memref<10240xf32, #tpu.memory_space<hbm>>
    tpu.wait_dma2 semaphore(%arg18 : memref<!tpu.dma_semaphore, #tpu.memory_space<semaphore_mem>>) src(%arg10 : memref<10240xf32, #tpu.memory_space<vmem>>) dst(%dma_wait3A_147 : memref<10240xf32, #tpu.memory_space<hbm>>)
    %add3A_148 = arith.constant 32 : i32
    %add3A_149 = arith.addi %add3A_148, %mul3A_32 : i32
    %add3A_150 = arith.constant 1 : i32
    %add3A_151 = arith.addi %add3A_149, %add3A_150 : i32
    %dma_wait3A_152 = arith.constant 0 : i32
    %dma_wait3A_153 = tpu.memref_slice %arg5[%select_n3A_9, %add3A_151, %dma_wait3A_152] : memref<2x64x10240xf32, #tpu.memory_space<hbm>> -> memref<1x1x10240xf32, #tpu.memory_space<hbm>>
    %dma_wait3A_154 = tpu.memref_squeeze %dma_wait3A_153 : memref<1x1x10240xf32, #tpu.memory_space<hbm>> -> memref<10240xf32, #tpu.memory_space<hbm>>
    %dma_wait3A_155 = arith.constant 0 : i32
    %dma_wait3A_156 = tpu.memref_slice %arg5[%select_n3A_9, %add3A_151, %dma_wait3A_155] : memref<2x64x10240xf32, #tpu.memory_space<hbm>> -> memref<1x1x10240xf32, #tpu.memory_space<hbm>>
    %dma_wait3A_157 = tpu.memref_squeeze %dma_wait3A_156 : memref<1x1x10240xf32, #tpu.memory_space<hbm>> -> memref<10240xf32, #tpu.memory_space<hbm>>
    tpu.wait_dma2 semaphore(%arg18 : memref<!tpu.dma_semaphore, #tpu.memory_space<semaphore_mem>>) src(%arg11 : memref<10240xf32, #tpu.memory_space<vmem>>) dst(%dma_wait3A_157 : memref<10240xf32, #tpu.memory_space<hbm>>)
    return
  }
}

module attributes {stable_mosaic.version = 14 : i64} {
  func.func @body(%arg0: i32, %arg1: memref<1280x128xf32, #tpu.memory_space<vmem>>, %arg2: memref<1000x128xf32, #tpu.memory_space<vmem>>, %arg3: memref<1000x1xf32, #tpu.memory_space<vmem>>, %arg4: memref<32x1000xf32, #tpu.memory_space<vmem>>, %arg5: memref<32x1000xf32, #tpu.memory_space<vmem>>, %arg6: memref<32x1280xf32, #tpu.memory_space<vmem>>, %arg7: memref<1x1280xf32, #tpu.memory_space<vmem>>, %arg8: memref<64x1280xf32, #tpu.memory_space<vmem>>, %arg9: memref<32x1280xi32, #tpu.memory_space<vmem>>) attributes {dimension_semantics = [#tpu.dimension_semantics<arbitrary>], iteration_bounds = array<i64: 8>, scalar_prefetch = 0 : i64, scratch_operands = 0 : i64, tpu.core_type = #tpu.core_type<tc>, window_params = [{transform_indices = @transform_0, window_bounds = array<i64: 1280, 128>}, {pipeline_mode = #tpu.pipeline_mode<synchronous>, transform_indices = @transform_1, window_bounds = array<i64: 1000, 128>}, {pipeline_mode = #tpu.pipeline_mode<synchronous>, transform_indices = @transform_2, window_bounds = array<i64: 1000, 1>}, {pipeline_mode = #tpu.pipeline_mode<synchronous>, transform_indices = @transform_3, window_bounds = array<i64: 32, 1000>}, {pipeline_mode = #tpu.pipeline_mode<synchronous>, transform_indices = @transform_4, window_bounds = array<i64: 32, 1000>}, {transform_indices = @transform_5, window_bounds = array<i64: 32, 1280>}, {transform_indices = @transform_6, window_bounds = array<i64: 1, 1280>}, {transform_indices = @transform_7, window_bounds = array<i64: 64, 1280>}, {transform_indices = @transform_8, window_bounds = array<i64: 32, 1280>}]} {
    %get3A = arith.constant 0 : index
    %get3A_0 = arith.constant 0 : index
    %get3A_1 = vector.load %arg6[%get3A, %get3A_0] : memref<32x1280xf32, #tpu.memory_space<vmem>>, vector<32x1280xf32>
    %reduce_sum3A = arith.constant dense<0.000000e+00> : vector<1280xf32>
    %reduce_sum3A_2 = vector.multi_reduction <add>, %get3A_1, %reduce_sum3A [0] : vector<32x1280xf32> to vector<1280xf32>
    %broadcast_in_dim3A = vector.shape_cast %reduce_sum3A_2 : vector<1280xf32> to vector<1x1280xf32>
    %add3A = arith.constant 1.000000e+00 : f32
    %add3A_3 = vector.broadcast %add3A : f32 to vector<1x1280xf32>
    %add3A_4 = arith.addf %broadcast_in_dim3A, %add3A_3 : vector<1x1280xf32>
    %rsqrt3A = math.rsqrt %add3A_4 : vector<1x1280xf32>
    %swap3A = arith.constant 0 : index
    %swap3A_5 = arith.constant 0 : index
    %swap3A_6 = vector.load %arg7[%swap3A, %swap3A_5] : memref<1x1280xf32, #tpu.memory_space<vmem>>, vector<1x1280xf32>
    tpu.vector_store %arg7[%swap3A, %swap3A_5], %rsqrt3A {strides = array<i32>} : memref<1x1280xf32, #tpu.memory_space<vmem>>, vector<1x1280xf32>,
    %get3A_7 = arith.constant 0 : index
    %get3A_8 = arith.constant 0 : index
    %get3A_9 = vector.load %arg2[%get3A_7, %get3A_8] : memref<1000x128xf32, #tpu.memory_space<vmem>>, vector<1000x128xf32>
    %get3A_10 = arith.constant 0 : index
    %get3A_11 = arith.constant 0 : index
    %get3A_12 = vector.load %arg1[%get3A_10, %get3A_11] : memref<1280x128xf32, #tpu.memory_space<vmem>>, vector<1280x128xf32>
    %transpose3A = tpu.transpose %get3A_12, [1, 0] : vector<1280x128xf32> -> vector<128x1280xf32>
    %dot_general3A = arith.constant dense<0.000000e+00> : vector<1000x1280xf32>
    %dot_general3A_13 = tpu.matmul %get3A_9, %transpose3A, %dot_general3A {dimension_numbers = #tpu.dot_dimension_numbers<[1], [0], [0], [1], [0, 0, 1, 1], [], []>, transpose_lhs_hint = false} : vector<1000x128xf32>, vector<128x1280xf32>, vector<1000x1280xf32> -> vector<1000x1280xf32>
    %get3A_14 = arith.constant 0 : index
    %get3A_15 = arith.constant 0 : index
    %get3A_16 = vector.load %arg3[%get3A_14, %get3A_15] : memref<1000x1xf32, #tpu.memory_space<vmem>>, vector<1000x1xf32>
    %add3A_17 = vector.broadcast %get3A_16 : vector<1000x1xf32> to vector<1000x1280xf32>
    %add3A_18 = arith.addf %dot_general3A_13, %add3A_17 : vector<1000x1280xf32>
    %gt3A = arith.constant 0.000000e+00 : f32
    %gt3A_19 = vector.broadcast %gt3A : f32 to vector<1000x1280xf32>
    %gt3A_20 = arith.cmpf ogt, %add3A_18, %gt3A_19 : vector<1000x1280xf32>
    %exp3A = math.exp %add3A_18 : vector<1000x1280xf32>
    %sub3A = arith.constant 1.000000e+00 : f32
    %sub3A_21 = vector.broadcast %sub3A : f32 to vector<1000x1280xf32>
    %sub3A_22 = arith.subf %exp3A, %sub3A_21 : vector<1000x1280xf32>
    %mul3A = arith.constant 1.67326319 : f32
    %mul3A_23 = vector.broadcast %mul3A : f32 to vector<1000x1280xf32>
    %mul3A_24 = arith.mulf %mul3A_23, %sub3A_22 : vector<1000x1280xf32>
    %select_n3A = arith.select %gt3A_20, %add3A_18, %mul3A_24 : vector<1000x1280xi1>, vector<1000x1280xf32>
    %mul3A_25 = arith.constant 1.05070102 : f32
    %mul3A_26 = vector.broadcast %mul3A_25 : f32 to vector<1000x1280xf32>
    %mul3A_27 = arith.mulf %mul3A_26, %select_n3A : vector<1000x1280xf32>
    %get3A_28 = arith.constant 0 : index
    %get3A_29 = arith.constant 0 : index
    %get3A_30 = vector.load %arg4[%get3A_28, %get3A_29] : memref<32x1000xf32, #tpu.memory_space<vmem>>, vector<32x1000xf32>
    %dot_general3A_31 = arith.constant dense<0.000000e+00> : vector<32x1280xf32>
    %dot_general3A_32 = tpu.matmul %get3A_30, %mul3A_27, %dot_general3A_31 {dimension_numbers = #tpu.dot_dimension_numbers<[1], [0], [0], [1], [0, 0, 1, 1], [], []>, transpose_lhs_hint = false} : vector<32x1000xf32>, vector<1000x1280xf32>, vector<32x1280xf32> -> vector<32x1280xf32>
    %mul3A_33 = vector.broadcast %rsqrt3A : vector<1x1280xf32> to vector<32x1280xf32>
    %mul3A_34 = arith.mulf %dot_general3A_32, %mul3A_33 : vector<32x1280xf32>
    %get3A_35 = arith.constant 0 : index
    %get3A_36 = arith.constant 0 : index
    %get3A_37 = vector.load %arg5[%get3A_35, %get3A_36] : memref<32x1000xf32, #tpu.memory_space<vmem>>, vector<32x1000xf32>
    %dot_general3A_38 = arith.constant dense<0.000000e+00> : vector<32x1280xf32>
    %dot_general3A_39 = tpu.matmul %get3A_37, %mul3A_27, %dot_general3A_38 {dimension_numbers = #tpu.dot_dimension_numbers<[1], [0], [0], [1], [0, 0, 1, 1], [], []>, transpose_lhs_hint = false} : vector<32x1000xf32>, vector<1000x1280xf32>, vector<32x1280xf32> -> vector<32x1280xf32>
    %mul3A_40 = vector.broadcast %rsqrt3A : vector<1x1280xf32> to vector<32x1280xf32>
    %mul3A_41 = arith.mulf %dot_general3A_39, %mul3A_40 : vector<32x1280xf32>
    %concatenate3A = tpu.concatenate %mul3A_34, %mul3A_41 in 0 : vector<32x1280xf32>, vector<32x1280xf32> -> vector<64x1280xf32>
    %swap3A_42 = arith.constant 0 : index
    %swap3A_43 = arith.constant 0 : index
    %swap3A_44 = vector.load %arg8[%swap3A_42, %swap3A_43] : memref<64x1280xf32, #tpu.memory_space<vmem>>, vector<64x1280xf32>
    tpu.vector_store %arg8[%swap3A_42, %swap3A_43], %concatenate3A {strides = array<i32>} : memref<64x1280xf32, #tpu.memory_space<vmem>>, vector<64x1280xf32>,
    %bitcast_convert_type3A = tpu.bitcast %mul3A_34 : vector<32x1280xf32> -> vector<32x1280xi32>
    %bitcast_convert_type3A_45 = tpu.bitcast %mul3A_41 : vector<32x1280xf32> -> vector<32x1280xi32>
    %add3A_46 = arith.constant 32767 : i32
    %add3A_47 = vector.broadcast %add3A_46 : i32 to vector<32x1280xi32>
    %add3A_48 = arith.addi %bitcast_convert_type3A, %add3A_47 : vector<32x1280xi32>
    %shift_right_logical3A = arith.constant 16 : i32
    %shift_right_logical3A_49 = vector.broadcast %shift_right_logical3A : i32 to vector<32x1280xi32>
    %shift_right_logical3A_50 = arith.shrui %bitcast_convert_type3A, %shift_right_logical3A_49 : vector<32x1280xi32>
    %and3A = arith.constant 1 : i32
    %and3A_51 = vector.broadcast %and3A : i32 to vector<32x1280xi32>
    %and3A_52 = arith.andi %shift_right_logical3A_50, %and3A_51 : vector<32x1280xi32>
    %add3A_53 = arith.addi %add3A_48, %and3A_52 : vector<32x1280xi32>
    %shift_right_logical3A_54 = arith.constant 16 : i32
    %shift_right_logical3A_55 = vector.broadcast %shift_right_logical3A_54 : i32 to vector<32x1280xi32>
    %shift_right_logical3A_56 = arith.shrui %add3A_53, %shift_right_logical3A_55 : vector<32x1280xi32>
    %add3A_57 = arith.constant 32767 : i32
    %add3A_58 = vector.broadcast %add3A_57 : i32 to vector<32x1280xi32>
    %add3A_59 = arith.addi %bitcast_convert_type3A_45, %add3A_58 : vector<32x1280xi32>
    %shift_right_logical3A_60 = arith.constant 16 : i32
    %shift_right_logical3A_61 = vector.broadcast %shift_right_logical3A_60 : i32 to vector<32x1280xi32>
    %shift_right_logical3A_62 = arith.shrui %bitcast_convert_type3A_45, %shift_right_logical3A_61 : vector<32x1280xi32>
    %and3A_63 = arith.constant 1 : i32
    %and3A_64 = vector.broadcast %and3A_63 : i32 to vector<32x1280xi32>
    %and3A_65 = arith.andi %shift_right_logical3A_62, %and3A_64 : vector<32x1280xi32>
    %add3A_66 = arith.addi %add3A_59, %and3A_65 : vector<32x1280xi32>
    %shift_right_logical3A_67 = arith.constant 16 : i32
    %shift_right_logical3A_68 = vector.broadcast %shift_right_logical3A_67 : i32 to vector<32x1280xi32>
    %shift_right_logical3A_69 = arith.shrui %add3A_66, %shift_right_logical3A_68 : vector<32x1280xi32>
    %shift_left3A = arith.constant 16 : i32
    %shift_left3A_70 = vector.broadcast %shift_left3A : i32 to vector<32x1280xi32>
    %shift_left3A_71 = arith.shli %shift_right_logical3A_69, %shift_left3A_70 : vector<32x1280xi32>
    %or3A = arith.ori %shift_left3A_71, %shift_right_logical3A_56 : vector<32x1280xi32>
    %bitcast_convert_type3A_72 = tpu.bitcast %or3A : vector<32x1280xi32> -> vector<32x1280xi32>
    %swap3A_73 = arith.constant 0 : index
    %swap3A_74 = arith.constant 0 : index
    %swap3A_75 = vector.load %arg9[%swap3A_73, %swap3A_74] : memref<32x1280xi32, #tpu.memory_space<vmem>>, vector<32x1280xi32>
    tpu.vector_store %arg9[%swap3A_73, %swap3A_74], %bitcast_convert_type3A_72 {strides = array<i32>} : memref<32x1280xi32, #tpu.memory_space<vmem>>, vector<32x1280xi32>,
    return
  }
  func.func @transform_0(%arg0: i32) -> (i32, i32) {
    %c0_i32 = arith.constant 0 : i32
    %c0_i32_0 = arith.constant 0 : i32
    return %arg0, %c0_i32 : i32, i32
  }
  func.func @transform_1(%arg0: i32) -> (i32, i32) {
    %c0_i32 = arith.constant 0 : i32
    %c0_i32_0 = arith.constant 0 : i32
    %c0_i32_1 = arith.constant 0 : i32
    return %c0_i32, %c0_i32_0 : i32, i32
  }
  func.func @transform_2(%arg0: i32) -> (i32, i32) {
    %c0_i32 = arith.constant 0 : i32
    %c0_i32_0 = arith.constant 0 : i32
    %c0_i32_1 = arith.constant 0 : i32
    return %c0_i32, %c0_i32_0 : i32, i32
  }
  func.func @transform_3(%arg0: i32) -> (i32, i32) {
    %c0_i32 = arith.constant 0 : i32
    %c0_i32_0 = arith.constant 0 : i32
    %c0_i32_1 = arith.constant 0 : i32
    return %c0_i32, %c0_i32_0 : i32, i32
  }
  func.func @transform_4(%arg0: i32) -> (i32, i32) {
    %c0_i32 = arith.constant 0 : i32
    %c0_i32_0 = arith.constant 0 : i32
    %c0_i32_1 = arith.constant 0 : i32
    return %c0_i32, %c0_i32_0 : i32, i32
  }
  func.func @transform_5(%arg0: i32) -> (i32, i32) {
    %c0_i32 = arith.constant 0 : i32
    %c0_i32_0 = arith.constant 0 : i32
    return %c0_i32, %arg0 : i32, i32
  }
  func.func @transform_6(%arg0: i32) -> (i32, i32) {
    %c0_i32 = arith.constant 0 : i32
    %c0_i32_0 = arith.constant 0 : i32
    return %c0_i32, %arg0 : i32, i32
  }
  func.func @transform_7(%arg0: i32) -> (i32, i32) {
    %c0_i32 = arith.constant 0 : i32
    %c0_i32_0 = arith.constant 0 : i32
    return %c0_i32, %arg0 : i32, i32
  }
  func.func @transform_8(%arg0: i32) -> (i32, i32) {
    %c0_i32 = arith.constant 0 : i32
    %c0_i32_0 = arith.constant 0 : i32
    return %c0_i32, %arg0 : i32, i32
  }
}

module attributes {stable_mosaic.version = 14 : i64} {
  func.func @body(%arg0: memref<2x64x10240xf32, #tpu.memory_space<vmem>>, %arg1: memref<64x10240xf32, #tpu.memory_space<vmem>>, %arg2: memref<1x10240xf32, #tpu.memory_space<vmem>>, %arg3: memref<32x64xf32, #tpu.memory_space<vmem>>, %arg4: memref<32x64xf32, #tpu.memory_space<vmem>>, %arg5: memref<64x1xf32, #tpu.memory_space<vmem>>, %arg6: memref<64x10240xf32, #tpu.memory_space<vmem>>, %arg7: memref<32x10240xi32, #tpu.memory_space<vmem>>) attributes {dimension_semantics = [], scalar_prefetch = 0 : i64, scratch_operands = 0 : i64, tpu.core_type = #tpu.core_type<tc>} {
    %get3A = arith.constant 0 : index
    %get3A_0 = arith.constant 0 : index
    %get3A_1 = vector.load %arg2[%get3A, %get3A_0] : memref<1x10240xf32, #tpu.memory_space<vmem>>, vector<1x10240xf32>
    %get3A_2 = arith.constant 0 : index
    %get3A_3 = arith.constant 0 : index
    %get3A_4 = arith.constant 0 : index
    %get3A_5 = vector.load %arg0[%get3A_2, %get3A_3, %get3A_4] : memref<2x64x10240xf32, #tpu.memory_space<vmem>>, vector<1x64x10240xf32>
    %get3A_6 = vector.shape_cast %get3A_5 : vector<1x64x10240xf32> to vector<64x10240xf32>
    %get3A_7 = arith.constant 1 : index
    %get3A_8 = arith.constant 0 : index
    %get3A_9 = arith.constant 0 : index
    %get3A_10 = vector.load %arg0[%get3A_7, %get3A_8, %get3A_9] : memref<2x64x10240xf32, #tpu.memory_space<vmem>>, vector<1x64x10240xf32>
    %get3A_11 = vector.shape_cast %get3A_10 : vector<1x64x10240xf32> to vector<64x10240xf32>
    %add3A = arith.addf %get3A_6, %get3A_11 : vector<64x10240xf32>
    %get3A_12 = arith.constant 0 : index
    %get3A_13 = arith.constant 0 : index
    %get3A_14 = vector.load %arg1[%get3A_12, %get3A_13] : memref<64x10240xf32, #tpu.memory_space<vmem>>, vector<64x10240xf32>
    %add3A_15 = arith.addf %add3A, %get3A_14 : vector<64x10240xf32>
    %mul3A = vector.broadcast %get3A_1 : vector<1x10240xf32> to vector<64x10240xf32>
    %mul3A_16 = arith.mulf %mul3A, %add3A_15 : vector<64x10240xf32>
    %get3A_17 = arith.constant 0 : index
    %get3A_18 = arith.constant 0 : index
    %get3A_19 = vector.load %arg5[%get3A_17, %get3A_18] : memref<64x1xf32, #tpu.memory_space<vmem>>, vector<64x1xf32>
    %add3A_20 = vector.broadcast %get3A_19 : vector<64x1xf32> to vector<64x10240xf32>
    %add3A_21 = arith.addf %mul3A_16, %add3A_20 : vector<64x10240xf32>
    %get3A_22 = arith.constant 0 : index
    %get3A_23 = arith.constant 0 : index
    %get3A_24 = vector.load %arg3[%get3A_22, %get3A_23] : memref<32x64xf32, #tpu.memory_space<vmem>>, vector<32x64xf32>
    %dot_general3A = arith.constant dense<0.000000e+00> : vector<32x10240xf32>
    %dot_general3A_25 = tpu.matmul %get3A_24, %add3A_21, %dot_general3A {dimension_numbers = #tpu.dot_dimension_numbers<[1], [0], [0], [1], [0, 0, 1, 1], [], []>, transpose_lhs_hint = false} : vector<32x64xf32>, vector<64x10240xf32>, vector<32x10240xf32> -> vector<32x10240xf32>
    %mul3A_26 = vector.broadcast %get3A_1 : vector<1x10240xf32> to vector<32x10240xf32>
    %mul3A_27 = arith.mulf %dot_general3A_25, %mul3A_26 : vector<32x10240xf32>
    %get3A_28 = arith.constant 0 : index
    %get3A_29 = arith.constant 0 : index
    %get3A_30 = vector.load %arg4[%get3A_28, %get3A_29] : memref<32x64xf32, #tpu.memory_space<vmem>>, vector<32x64xf32>
    %dot_general3A_31 = arith.constant dense<0.000000e+00> : vector<32x10240xf32>
    %dot_general3A_32 = tpu.matmul %get3A_30, %add3A_21, %dot_general3A_31 {dimension_numbers = #tpu.dot_dimension_numbers<[1], [0], [0], [1], [0, 0, 1, 1], [], []>, transpose_lhs_hint = false} : vector<32x64xf32>, vector<64x10240xf32>, vector<32x10240xf32> -> vector<32x10240xf32>
    %mul3A_33 = vector.broadcast %get3A_1 : vector<1x10240xf32> to vector<32x10240xf32>
    %mul3A_34 = arith.mulf %dot_general3A_32, %mul3A_33 : vector<32x10240xf32>
    %concatenate3A = tpu.concatenate %mul3A_27, %mul3A_34 in 0 : vector<32x10240xf32>, vector<32x10240xf32> -> vector<64x10240xf32>
    %swap3A = arith.constant 0 : index
    %swap3A_35 = arith.constant 0 : index
    %swap3A_36 = vector.load %arg6[%swap3A, %swap3A_35] : memref<64x10240xf32, #tpu.memory_space<vmem>>, vector<64x10240xf32>
    tpu.vector_store %arg6[%swap3A, %swap3A_35], %concatenate3A {strides = array<i32>} : memref<64x10240xf32, #tpu.memory_space<vmem>>, vector<64x10240xf32>,
    %bitcast_convert_type3A = tpu.bitcast %mul3A_27 : vector<32x10240xf32> -> vector<32x10240xi32>
    %bitcast_convert_type3A_37 = tpu.bitcast %mul3A_34 : vector<32x10240xf32> -> vector<32x10240xi32>
    %add3A_38 = arith.constant 32767 : i32
    %add3A_39 = vector.broadcast %add3A_38 : i32 to vector<32x10240xi32>
    %add3A_40 = arith.addi %bitcast_convert_type3A, %add3A_39 : vector<32x10240xi32>
    %shift_right_logical3A = arith.constant 16 : i32
    %shift_right_logical3A_41 = vector.broadcast %shift_right_logical3A : i32 to vector<32x10240xi32>
    %shift_right_logical3A_42 = arith.shrui %bitcast_convert_type3A, %shift_right_logical3A_41 : vector<32x10240xi32>
    %and3A = arith.constant 1 : i32
    %and3A_43 = vector.broadcast %and3A : i32 to vector<32x10240xi32>
    %and3A_44 = arith.andi %shift_right_logical3A_42, %and3A_43 : vector<32x10240xi32>
    %add3A_45 = arith.addi %add3A_40, %and3A_44 : vector<32x10240xi32>
    %shift_right_logical3A_46 = arith.constant 16 : i32
    %shift_right_logical3A_47 = vector.broadcast %shift_right_logical3A_46 : i32 to vector<32x10240xi32>
    %shift_right_logical3A_48 = arith.shrui %add3A_45, %shift_right_logical3A_47 : vector<32x10240xi32>
    %add3A_49 = arith.constant 32767 : i32
    %add3A_50 = vector.broadcast %add3A_49 : i32 to vector<32x10240xi32>
    %add3A_51 = arith.addi %bitcast_convert_type3A_37, %add3A_50 : vector<32x10240xi32>
    %shift_right_logical3A_52 = arith.constant 16 : i32
    %shift_right_logical3A_53 = vector.broadcast %shift_right_logical3A_52 : i32 to vector<32x10240xi32>
    %shift_right_logical3A_54 = arith.shrui %bitcast_convert_type3A_37, %shift_right_logical3A_53 : vector<32x10240xi32>
    %and3A_55 = arith.constant 1 : i32
    %and3A_56 = vector.broadcast %and3A_55 : i32 to vector<32x10240xi32>
    %and3A_57 = arith.andi %shift_right_logical3A_54, %and3A_56 : vector<32x10240xi32>
    %add3A_58 = arith.addi %add3A_51, %and3A_57 : vector<32x10240xi32>
    %shift_right_logical3A_59 = arith.constant 16 : i32
    %shift_right_logical3A_60 = vector.broadcast %shift_right_logical3A_59 : i32 to vector<32x10240xi32>
    %shift_right_logical3A_61 = arith.shrui %add3A_58, %shift_right_logical3A_60 : vector<32x10240xi32>
    %shift_left3A = arith.constant 16 : i32
    %shift_left3A_62 = vector.broadcast %shift_left3A : i32 to vector<32x10240xi32>
    %shift_left3A_63 = arith.shli %shift_right_logical3A_61, %shift_left3A_62 : vector<32x10240xi32>
    %or3A = arith.ori %shift_left3A_63, %shift_right_logical3A_48 : vector<32x10240xi32>
    %bitcast_convert_type3A_64 = tpu.bitcast %or3A : vector<32x10240xi32> -> vector<32x10240xi32>
    %swap3A_65 = arith.constant 0 : index
    %swap3A_66 = arith.constant 0 : index
    %swap3A_67 = vector.load %arg7[%swap3A_65, %swap3A_66] : memref<32x10240xi32, #tpu.memory_space<vmem>>, vector<32x10240xi32>
    tpu.vector_store %arg7[%swap3A_65, %swap3A_66], %bitcast_convert_type3A_64 {strides = array<i32>} : memref<32x10240xi32, #tpu.memory_space<vmem>>, vector<32x10240xi32>,
    return
  }
}

module attributes {stable_mosaic.version = 14 : i64} {
  func.func @body(%arg0: i32, %arg1: memref<2x64x2560xf32, #tpu.memory_space<vmem>>, %arg2: memref<64x2560xf32, #tpu.memory_space<vmem>>, %arg3: memref<1x2560xf32, #tpu.memory_space<vmem>>, %arg4: memref<64x1xf32, #tpu.memory_space<vmem>>, %arg5: memref<2560x64xf32, #tpu.memory_space<vmem>>) attributes {dimension_semantics = [#tpu.dimension_semantics<arbitrary>], iteration_bounds = array<i64: 4>, scalar_prefetch = 0 : i64, scratch_operands = 0 : i64, tpu.core_type = #tpu.core_type<tc>, window_params = [{transform_indices = @transform_0, window_bounds = array<i64: 2, 64, 2560>}, {transform_indices = @transform_1, window_bounds = array<i64: 64, 2560>}, {transform_indices = @transform_2, window_bounds = array<i64: 1, 2560>}, {pipeline_mode = #tpu.pipeline_mode<synchronous>, transform_indices = @transform_3, window_bounds = array<i64: 64, 1>}, {transform_indices = @transform_4, window_bounds = array<i64: 2560, 64>}]} {
    %get3A = arith.constant 0 : index
    %get3A_0 = arith.constant 0 : index
    %get3A_1 = vector.load %arg3[%get3A, %get3A_0] : memref<1x2560xf32, #tpu.memory_space<vmem>>, vector<1x2560xf32>
    %get3A_2 = arith.constant 0 : index
    %get3A_3 = arith.constant 0 : index
    %get3A_4 = arith.constant 0 : index
    %get3A_5 = vector.load %arg1[%get3A_2, %get3A_3, %get3A_4] : memref<2x64x2560xf32, #tpu.memory_space<vmem>>, vector<1x64x2560xf32>
    %get3A_6 = vector.shape_cast %get3A_5 : vector<1x64x2560xf32> to vector<64x2560xf32>
    %get3A_7 = arith.constant 1 : index
    %get3A_8 = arith.constant 0 : index
    %get3A_9 = arith.constant 0 : index
    %get3A_10 = vector.load %arg1[%get3A_7, %get3A_8, %get3A_9] : memref<2x64x2560xf32, #tpu.memory_space<vmem>>, vector<1x64x2560xf32>
    %get3A_11 = vector.shape_cast %get3A_10 : vector<1x64x2560xf32> to vector<64x2560xf32>
    %add3A = arith.addf %get3A_6, %get3A_11 : vector<64x2560xf32>
    %get3A_12 = arith.constant 0 : index
    %get3A_13 = arith.constant 0 : index
    %get3A_14 = vector.load %arg2[%get3A_12, %get3A_13] : memref<64x2560xf32, #tpu.memory_space<vmem>>, vector<64x2560xf32>
    %add3A_15 = arith.addf %add3A, %get3A_14 : vector<64x2560xf32>
    %mul3A = vector.broadcast %get3A_1 : vector<1x2560xf32> to vector<64x2560xf32>
    %mul3A_16 = arith.mulf %mul3A, %add3A_15 : vector<64x2560xf32>
    %get3A_17 = arith.constant 0 : index
    %get3A_18 = arith.constant 0 : index
    %get3A_19 = vector.load %arg4[%get3A_17, %get3A_18] : memref<64x1xf32, #tpu.memory_space<vmem>>, vector<64x1xf32>
    %add3A_20 = vector.broadcast %get3A_19 : vector<64x1xf32> to vector<64x2560xf32>
    %add3A_21 = arith.addf %mul3A_16, %add3A_20 : vector<64x2560xf32>
    %reduce_max3A = arith.constant dense<0xFF800000> : vector<2560xf32>
    %reduce_max3A_22 = vector.multi_reduction <maximumf>, %add3A_21, %reduce_max3A [0] : vector<64x2560xf32> to vector<2560xf32>
    %broadcast_in_dim3A = vector.shape_cast %reduce_max3A_22 : vector<2560xf32> to vector<1x2560xf32>
    %sub3A = vector.broadcast %broadcast_in_dim3A : vector<1x2560xf32> to vector<64x2560xf32>
    %sub3A_23 = arith.subf %add3A_21, %sub3A : vector<64x2560xf32>
    %exp3A = math.exp %sub3A_23 : vector<64x2560xf32>
    %reduce_sum3A = arith.constant dense<0.000000e+00> : vector<2560xf32>
    %reduce_sum3A_24 = vector.multi_reduction <add>, %exp3A, %reduce_sum3A [0] : vector<64x2560xf32> to vector<2560xf32>
    %broadcast_in_dim3A_25 = vector.shape_cast %reduce_sum3A_24 : vector<2560xf32> to vector<1x2560xf32>
    %div3A = vector.broadcast %broadcast_in_dim3A_25 : vector<1x2560xf32> to vector<64x2560xf32>
    %div3A_26 = arith.divf %exp3A, %div3A : vector<64x2560xf32>
    %transpose3A = tpu.transpose %div3A_26, [1, 0] : vector<64x2560xf32> -> vector<2560x64xf32>
    %swap3A = arith.constant 0 : index
    %swap3A_27 = arith.constant 0 : index
    %swap3A_28 = vector.load %arg5[%swap3A, %swap3A_27] : memref<2560x64xf32, #tpu.memory_space<vmem>>, vector<2560x64xf32>
    tpu.vector_store %arg5[%swap3A, %swap3A_27], %transpose3A {strides = array<i32>} : memref<2560x64xf32, #tpu.memory_space<vmem>>, vector<2560x64xf32>,
    return
  }
  func.func @transform_0(%arg0: i32) -> (i32, i32, i32) {
    %c0_i32 = arith.constant 0 : i32
    %c0_i32_0 = arith.constant 0 : i32
    %c0_i32_1 = arith.constant 0 : i32
    return %c0_i32, %c0_i32_0, %arg0 : i32, i32, i32
  }
  func.func @transform_1(%arg0: i32) -> (i32, i32) {
    %c0_i32 = arith.constant 0 : i32
    %c0_i32_0 = arith.constant 0 : i32
    return %c0_i32, %arg0 : i32, i32
  }
  func.func @transform_2(%arg0: i32) -> (i32, i32) {
    %c0_i32 = arith.constant 0 : i32
    %c0_i32_0 = arith.constant 0 : i32
    return %c0_i32, %arg0 : i32, i32
  }
  func.func @transform_3(%arg0: i32) -> (i32, i32) {
    %c0_i32 = arith.constant 0 : i32
    %c0_i32_0 = arith.constant 0 : i32
    %c0_i32_1 = arith.constant 0 : i32
    return %c0_i32, %c0_i32_0 : i32, i32
  }
  func.func @transform_4(%arg0: i32) -> (i32, i32) {
    %c0_i32 = arith.constant 0 : i32
    %c0_i32_0 = arith.constant 0 : i32
    return %arg0, %c0_i32 : i32, i32
  }
}

</mosaic_0001>

<sc_bundles>
// kernel: kernel.11.cloned.1.call-start
scs
__scs_entry_jumppad:
0x0: {  	(pc) =	sbr.rel $0x88, $3  }
0x1: {  	(tag) =	ssettag $0x0;
	lr =	simm.s32 $0x1  }
0x2: {  	[smem:$0x3F98] =	sst lr;
	_ =	strace $0xD0000000  }
0x3: {  	_ = 	snop  }
0x4: {  	_ = 	snop  }
0x5: {  	_ = 	snop  }
0x6: {  	_ = 	snop  }
0x7: {  	_ = 	snop  }
__scs_overlays_trampoline_lowered:
0x8: {  	[smem:$0x3FA7] =	sst s0  }
0x9: {  	[smem:$0x3FA8] =	sst s1  }
0xa: {  	[smem:$0x3FA9] =	sst s2  }
0xb: {  	[smem:$0x3FAA] =	sst s3  }
0xc: {  	[smem:$0x3FAB] =	sst s4  }
0xd: {  	[smem:$0x3FAC] =	sst s5  }
0xe: {  	[smem:$0x3FAD] =	sst s6  }
0xf: {  	[smem:$0x3FAE] =	sst s7  }
0x10: {  	[smem:$0x3FAF] =	sst s8  }
0x11: {  	[smem:$0x3FB0] =	sst s9;
	s0 =	simm.s32 @!p0 $0x0  }
0x12: {  	s1 =	sld [smem:$0x3F96];
	s0 =	simm.s32 @p0 $0x1  }
0x13: {  	[smem:$0x3FB1] =	sst s0;
	s0 =	simm.s32 @!p1 $0x0  }
0x14: {  	s2 =	sld [smem:$0x3F95];
	s0 =	simm.s32 @p1 $0x1  }
0x15: {  	[smem:$0x3FB2] =	sst s0;
	s0 =	simm.s32 @!p2 $0x0  }
0x16: {  	s3 =	sld [smem:$0x3FDB];
	s0 =	simm.s32 @p2 $0x1  }
0x17: {  	s4 =	simm.s32 $0x1BF5;
	[smem:$0x3FB4] =	sst s0  }
0x18: {  	s0 =	sld [smem:$0x3F97];
	_ =	swait.ge [sflag:s4], $0x0  }
0x19: {  	s7 =	sld [smem:$0x3F98]  }
0x1a: {  	s8 =	sadd.s32 $0xFFFFE003, lr  }
0x1b: {  	s9 =	sadd.s32 $0xFFFFFEF7, lr;
	s5 =	simm.s32 $0xFFFFFFFF;
	p2 =	slt.u32 s8, $0xFFFFF086  }
0x1c: {  	p1 =	slt.u32 s9, $0xF7A;
	s5 =	simm.s32 @!p2 $0x0  }
0x1d: {  	s5 =	simm.s32 @p1 $0x1;
	p0 =	seq.s32 s7, s2  }
0x1e: {  	s7 =	smul.u32 @!p0 $0xF7A, s2;
	p2 =	seq.s32 @!p0 s5, $0x0  }
0x1f: {  	s9 =	smul.u32 $0xF7A, s1;
	s8 =	simm.s32 @!p0 $0x1BF5;
	p2 =	por !p2, p0  }
0x20: {  	[sflag:s8] =	ssyncset.s32 @!p0 $0xFFFFF086;
	s6 =	sadd.s32 @!p0 s3, s7;
	s7 =	simm.s32 @!p0 $0x108  }
0x21: {  	s3 =	sadd.s32 s3, s9;
	s6 =	sadd.s32 @!p0 $0x88, s6;
	s7 =	simm.s32 @p2 $0x1082  }
0x22: {  	[simem:s7], [sflag:s8] =	dma.local @!p0 [hbm:s6], $0xF7A  }
0x23: {  	s9 =	sor.u32 $0xD0000000, s2;
	s6 =	simm.s32 $0x108;
	_ =	swait.ge @!p0 [sflag:s8], $0x0  }
0x24: {  	s3 =	sadd.s32 $0x88, s3;
	s6 =	simm.s32 @!p1 $0x1082;
	[sflag:s4] =	ssyncset.s32 $0xFFFFF086  }
0x25: {  	[simem:s6], [sflag:s4] =	dma.local [hbm:s3], $0xF7A  }
0x26: {  	[smem:$0x3F98] =	sst s1;
	(tag) =	ssettag s2;
	_ =	strace s9  }
0x27: {  	s1 =	sld [smem:$0x3FA8]  }
0x28: {  	s2 =	sld [smem:$0x3FA9]  }
0x29: {  	s4 =	sld [smem:$0x3FAB]  }
0x2a: {  	p0 =	seq.s32 s5, $0x0;
	s5 =	sld [smem:$0x3FAC]  }
0x2b: {  	s6 =	sld [smem:$0x3FAD]  }
0x2c: {  	s7 =	sld [smem:$0x3FAE]  }
0x2d: {  	s3 =	simm.s32 $0x108;
	s8 =	sld [smem:$0x3FAF]  }
0x2e: {  	s3 =	simm.s32 @!p0 $0x1082;
	s9 =	sld [smem:$0x3FB0]  }
0x2f: {  	lr =	sadd.s32 s0, s3;
	s0 =	sld [smem:$0x3FA7]  }
0x30: {  	s3 =	sld [smem:$0x3FAA]  }
0x31: {  	[smem:$0x3FB3] =	sst s10  }
0x32: {  	s10 =	sld [smem:$0x3FB1];
	_ =	sdelay $0x3  }
0x33: {  	p0 =	seq.s32 s10, $0x1;
	s10 =	sld [smem:$0x3FB3];
	_ =	sdelay $0x3  }
0x34: {  	[smem:$0x3FB3] =	sst s10  }
0x35: {  	s10 =	sld [smem:$0x3FB2];
	_ =	sdelay $0x3  }
0x36: {  	p1 =	seq.s32 s10, $0x1;
	s10 =	sld [smem:$0x3FB3];
	_ =	sdelay $0x3  }
0x37: {  	[smem:$0x3FB3] =	sst s10  }
0x38: {  	s10 =	sld [smem:$0x3FB4]  }
0x39: {  	_ = 	snop;
	(pc) =	sbr.ind lr, $3  }
0x3a: {  	_ = 	snop  }
0x3b: {  	_ = 	snop  }
0x3c: {  	p2 =	seq.s32 s10, $0x1;
	s10 =	sld [smem:$0x3FB3]  }
0x3d: {  	_ =	shalt  }
0x3e: {  	_ =	shalt  }
0x3f: {  	_ =	shalt  }
0x40: {  	_ =	shalt  }
0x41: {  	_ =	shalt  }
0x42: {  	_ =	shalt  }
0x43: {  	_ =	shalt  }
0x44: {  	_ =	shalt  }
0x45: {  	_ =	shalt  }
0x46: {  	_ =	shalt  }
0x47: {  	_ =	shalt  }
0x48: {  	_ =	shalt  }
0x49: {  	_ =	shalt  }
0x4a: {  	_ =	shalt  }
0x4b: {  	_ =	shalt  }
0x4c: {  	_ =	shalt  }
0x4d: {  	_ =	shalt  }
0x4e: {  	_ =	shalt  }
0x4f: {  	_ =	shalt  }
0x50: {  	_ =	shalt  }
0x51: {  	_ =	shalt  }
0x52: {  	_ =	shalt  }
0x53: {  	_ =	shalt  }
0x54: {  	_ =	shalt  }
0x55: {  	_ =	shalt  }
0x56: {  	_ =	shalt  }
0x57: {  	_ =	shalt  }
0x58: {  	_ =	shalt  }
0x59: {  	_ =	shalt  }
0x5a: {  	_ =	shalt  }
0x5b: {  	_ =	shalt  }
0x5c: {  	_ =	shalt  }
0x5d: {  	_ =	shalt  }
0x5e: {  	_ =	shalt  }
0x5f: {  	_ =	shalt  }
0x60: {  	_ =	shalt  }
0x61: {  	_ =	shalt  }
0x62: {  	_ =	shalt  }
0x63: {  	_ =	shalt  }
0x64: {  	_ =	shalt  }
0x65: {  	_ =	shalt  }
0x66: {  	_ =	shalt  }
0x67: {  	_ =	shalt  }
0x68: {  	_ =	shalt  }
0x69: {  	_ =	shalt  }
0x6a: {  	_ =	shalt  }
0x6b: {  	_ =	shalt  }
0x6c: {  	_ =	shalt  }
0x6d: {  	_ =	shalt  }
0x6e: {  	_ =	shalt  }
0x6f: {  	_ =	shalt  }
0x70: {  	_ =	shalt  }
0x71: {  	_ =	shalt  }
0x72: {  	_ =	shalt  }
0x73: {  	_ =	shalt  }
0x74: {  	_ =	shalt  }
0x75: {  	_ =	shalt  }
0x76: {  	_ =	shalt  }
0x77: {  	_ =	shalt  }
0x78: {  	_ =	shalt  }
0x79: {  	_ =	shalt  }
0x7a: {  	_ =	shalt  }
0x7b: {  	_ =	shalt  }
0x7c: {  	_ =	shalt  }
0x7d: {  	_ =	shalt  }
0x7e: {  	_ =	shalt  }
0x7f: {  	_ =	shalt  }
0x80: {  	_ =	shalt  }
0x81: {  	_ =	shalt  }
0x82: {  	_ =	shalt  }
0x83: {  	_ =	shalt  }
0x84: {  	_ =	shalt  }
0x85: {  	_ =	shalt  }
0x86: {  	_ =	shalt  }
0x87: {  	_ =	shalt  }
.Lfunc_end0:
.L_simem_size_0:
called_computation.1_lowered:
.L_overlay_start_0:
0x88: {  	s2 =	sld [smem:$0x3FD9]  }
0x89: {  	s3 =	sld [smem:$0x3FFE];
	_ =	sdelay $0x1  }
0x8a: {  	s1 =	srdreg.scid  }
0x8b: {  	s0 =	sand.u32 $0x1, s1  }
0x8c: {  	s17 =	sshll.u32 s0, $0xA;
	s2 =	sadd.s32 s3, s2  }
0x8d: {  	s2 =	sadd.s32 s2, s17  }
0x8e: {  	[smem:$0x3FBF] =	sst s2  }
0x8f: {  	_ = 	snop  }
0x90: {  	s2 =	sld [smem:$0x3FC7]  }
0x91: {  	s18 =	sld [smem:$0x3FD0];
	(tm) =	ssettm $0x1  }
0x92: {  	s4 =	sld [smem:$0x3FFB];
	_ =	sdelay $0x3  }
0x93: {  	_ =	strace s4  }
0x94: {  	s4 =	sld [smem:$0x3FFC];
	_ =	sdelay $0x3  }
0x95: {  	_ =	strace s4  }
0x96: {  	s4 =	sld [smem:$0x3FFD];
	_ =	sdelay $0x3  }
0x97: {  	_ =	strace s4  }
0x98: {  	_ =	strace $0x8FFFFFFF  }
0x99: {  	s19 =	sld [smem:$0x3FDB];
	_ =	sdelay $0x1  }
0x9a: {  	s5 =	simm.s32 $_scs_section_size  }
0x9b: {  	s6 =	simm.s32 $_size__tile_overlayer_lowered;
	s7 =	simm.s32 $_tile_overlayer_lowered  }
0x9c: {  	s22 =	simm.s32 $0x1BFF;
	s21 =	sshll.u32 s7, $0x1;
	s4 =	sadd.s32 s5, s19  }
0x9d: {  	s8 =	simm.s32 $0x0;
	s20 =	sshll.u32 s6, $0x1;
	s6 =	sadd.s32 s21, s4  }
0x9e: {  	[timem:s8], [sflag:s22] =	dma.local [hbm:s6], s20  }
0x9f: {  	_ =	swait.ge [sflag:s22], s20  }
0xa0: {  	s5 =	ssub.s32 $0x0, s20;
	[sflag:s22] =	ssyncset.done $0x0  }
0xa1: {  	[sflag:s22] =	ssyncadd.s32 s5;
	_ =	sdelay $0x1  }
0xa2: {  	s23 =	simm.s32 $0x1B8B  }
0xa3: {  	_ =	swait.ge [sflag:s23], $0x1  }
0xa4: {  	[sflag:s23] =	ssyncset.done $0x0  }
0xa5: {  	s25 =	simm.s32 $0x1B8E;
	s24 =	sld [smem:$0x3FFE];
	[sflag:s23] =	ssyncadd.s32 $0xFFFFFFFF  }
0xa6: {  	s26 =	simm.s32 $execute0_lowered;
	[smem:$0x3FD2] =	sst s25  }
0xa7: {  	s6 =	sshll.u32 s26, $0x1;
	_ =	strace $0x80000049;
	[dreg:$0x1] =	wrdreg $0xFFFFFFFF  }
0xa8: {  	s28 =	simm.s32 $_size_execute0_lowered;
	s4 =	sadd.s32 s4, s6;
	[dreg:$0x0] =	wrdreg $0x0  }
0xa9: {  	s6 =	sshll.u32 s28, $0x1;
	[dreg:$0x2] =	wrdreg s4  }
0xaa: {  	[dreg:$0x3] =	wrdreg s6  }
0xab: {  	[dreg:$0x4] =	wrdreg $0xC0  }
0xac: {  	_ =	task [dreg:s8], $0x5FFFF  }
0xad: {  	[dreg:$0x1] =	wrdreg $0xFFFFFFFF  }
0xae: {  	[dreg:$0x0] =	wrdreg $0x60  }
0xaf: {  	[dreg:$0x2] =	wrdreg s18  }
0xb0: {  	[dreg:$0x3] =	wrdreg s24  }
0xb1: {  	[dreg:$0x4] =	wrdreg s2  }
0xb2: {  	[dreg:$0x5] =	wrdreg $0x9  }
0xb3: {  	_ =	task.clear_ibuf [dreg:s8], $0x6FFFF;
	_ =	strace $0x90000049  }
0xb4: {  	s29 =	simm.s32 $0x9;
	_ =	strace $0x8000004B  }
0xb5: {  	_ =	swait.ge [sflag:s29], $0x1  }
0xb6: {  	[sflag:s29] =	ssyncadd.s32 $0xFFFFFFFF  }
0xb7: {  	_ =	strace $0x9000004B  }
0xb8: {  	_ =	sfence  }
0xb9: {  	s30 =	sld [smem:$0x0];
	_ =	sdelay $0x2  }
0xba: {  	s31 =	sshll.u32 s1, $0xD;
	s1 =	sshrl.u32 s1, $0x2  }
0xbb: {  	s3 =	sand.u32 $0x4000, s31;
	s1 =	sadd.s32 s1, s30  }
0xbc: {  	s0 =	sor.u32 s3, s0;
	s1 =	sshll.u32 s1, $0x11  }
0xbd: {  	s0 =	sor.u32 s1, s0  }
0xbe: {  	s0 =	sadd.s32 $0x8F2B, s0  }
0xbf: {  	[sflag:s0] =	ssyncadd.remote.s32 $0x1  }
0xc0: {  	_ =	sfence.sel $0xFFFF  }
0xc1: {  	[dreg:$0x0] =	wrdreg $0xFFFFFFFF;
	(pc) =	sbr.abs _section_cstart, $3  }
0xc2: {  	[dreg:$0x1] =	wrdreg $0xFFFFFFFF  }
0xc3: {  	_ =	task.clear_ibuf [dreg:s8], $0x2FFFF;
	_ =	strace $0x9FFFFFFF  }
0xc4: {  	(tm) =	ssettm $0x7FFFFFFF  }
0xc5: {  	_ =	shalt  }
tec
execute0_lowered:
.L_overlay_start_1:
0x0: {  	(tag) =	ssettag $0x1  }
0x1: {  	s0 =	srdreg.scid;
	s1 =	rddreg [dreg:$0x0]  }
0x2: {  	s6 =	stileid.u32;
	s5 =	rddreg [dreg:$0x1]  }
0x3: {  	s2 =	rddreg [dreg:$0x2];
	s4 =	simm.s32 $0x1;
	s28 =	simm.s32 $0xA000  }
0x4: {  	s29 =	simm.s32 $0xC800;
	s30 =	simm.s32 $0x2;
	s0 =	sand.u32 $0x1, s0  }
0x5: {  	s31 =	simm.s32 $0x0;
	s15 =	sadd.s32 $0x20800, s5;
	s3 =	sor.u32 s0, s6  }
0x6: {  	p0 =	seq.s32 s0, $0x1;
	s7 =	ssub.s32 $0x2, s0;
	s11 =	smul.u32 $0x27100, s0  }
0x7: {  	s0 =	smul.u32 $0xA0000, s0;
	p1 =	seq.s32 s3, $0x0;
	s3 =	simm.s32 $0x0  }
0x8: {  	s9 =	sshrl.u32 s7, $0x1;
	p0 =	por !p1, !p0;
	[smem:$0x7FF] =	sst s3  }
0x9: {  	s16 =	ssub.s32 s7, s9;
	s23 =	sshrl.u32 s11, $0x3;
	p0 =	por !p0, !p0  }
0xa: {  	_ =	strace $0x8000004A;
	s9 =	sadd.s32 s2, s23;
	s4 =	simm.s32 @!p0 $0x0  }
0xb: {  	s16 =	smax.u32 s16, $0x1;
	s6 =	ssub.s32 s6, s4;
	s4 =	sadd.s32 $0x16A00, s5  }
0xc: {  	s5 =	simm.s32 $0x1;
	s8 =	sshrl.u32 s6, $0x2;
	s19 =	sshll.u32 s6, $0x8  }
0xd: {  	s6 =	sshll.u32 s6, $0x1;
	s10 =	smul.u32 $0x14000, s8;
	s13 =	sand.u32 $0x300, s19  }
0xe: {  	s8 =	sadd.s32 s4, s23;
	s24 =	sadd.s32 $0x20, s6;
	s6 =	sadd.s32 $0x21, s6  }
0xf: {  	s19 =	simm.s32 $0x2800;
	s23 =	simm.s32 $0x12F00;
	s14 =	sor.u32 $0x80, s13  }
0x10: {  	s18 =	sshrl.u32 s6, $0x3;
	s6 =	sshll.u32 s6, $0x7;
	s20 =	sor.u32 s13, s10  }
0x11: {  	s21 =	sor.u32 s14, s10;
	s17 =	sadd.s32 s0, s10;
	s10 =	sadd.s32 $0x1F40, s11  }
0x12: {  	s18 =	smul.u32 $0x14000, s18;
	s11 =	sadd.s32 $0x3E80, s11;
	s6 =	sand.u32 $0x380, s6  }
0x13: {  	s7 =	sshrl.u32 s20, $0x3;
	s22 =	sshrl.u32 s21, $0x3;
	s12 =	sor.u32 s13, s17  }
0x14: {  	s25 =	sor.u32 s14, s17;
	s17 =	simm.s32 $0x80;
	s7 =	sadd.s32 s1, s7  }
0x15: {  	[dreg:$0x4] =	wrdreg s7;
	s7 =	sadd.s32 s1, s22;
	s1 =	sshrl.u32 s24, $0x3  }
0x16: {  	s20 =	simm.s32 $0x3;
	s12 =	sshrl.u32 s12, $0x3;
	s1 =	smul.u32 $0x14000, s1  }
0x17: {  	s26 =	sshrl.u32 s25, $0x3;
	s25 =	simm.s32 $0x5000;
	s12 =	sadd.s32 s15, s12  }
0x18: {  	s14 =	sadd.s32 s15, s26;
	s1 =	sadd.s32 s0, s1;
	s0 =	sadd.s32 s0, s18  }
0x19: {  	s24 =	simm.s32 $0x14E80;
	s1 =	sor.u32 s13, s1;
	s0 =	sor.u32 s6, s0  }
0x1a: {  	s26 =	simm.s32 $0x7800;
	s1 =	sshrl.u32 s1, $0x3;
	s0 =	sshrl.u32 s0, $0x3  }
0x1b: {  	v0 =	vimm.f32 $0.0e+00;
	s18 =	simm.s32 $0x400;
	s13 =	sadd.s32 s15, s1;
	s15 =	sadd.s32 s15, s0  }
.LBB2_1:
0x1c: {  	s0 =	rddreg [dreg:$0x4]  }
0x1d: {  	[tilespmem:s3], [sflag:$0x3] =	stream.strided.gather [hbm4b:s0+s17], $0x2800, s18, s17, $0x38;
	[tilespmem:$0x16E00] =	vst v63  }
0x1e: {  	s1 =	simm.s32 $0x40;
	s0 =	simm.s32 $0x0  }
0x1f: {  	[tilespmem:s19], [sflag:$0x3] =	stream.strided.gather [hbm4b:s7+s17], $0x2800, s18, s17, $0x38;
	[tilespmem:$0x16E00] =	vst v63  }
.LBB2_2:
0x20: {  	p0 =	sne.s32 s1, $0x9FC0;
	[tilespmem:s0+$0xC800] =	vst v0;
	s6 =	smov.u32 s1;
	s1 =	sadd.s32 $0x40, s1  }
.Ltmp0:
0x21: {  	[tilespmem:s0+$0xA000] =	vst v0;
	(pc) =	sbr.rel @p0 .LBB2_2-.Ltmp0, $3  }
0x22: {  	[tilespmem:s0+$0x5000] =	vst v0  }
0x23: {  	[tilespmem:s0+$0x7800] =	vst v0;
	_ =	sdelay $0x1  }
0x24: {  	s0 =	sshra.s32 s6, $0x2  }
0x25: {  	[tilespmem:s0+$0xC800] =	vst v0  }
0x26: {  	[tilespmem:s0+$0xA000] =	vst v0  }
0x27: {  	[tilespmem:s0+$0x5000] =	vst v0  }
0x28: {  	[tilespmem:s0+$0x7800] =	vst v0  }
0x29: {  	_ =	swait.ge [sflag:s20], $0x2800  }
0x2a: {  	[sflag:s20] =	ssyncset.done $0x0  }
0x2b: {  	[sflag:s20] =	ssyncadd.s32 $0xFFFFD800  }
0x2c: {  	_ =	swait.ge [sflag:s20], $0x2800  }
0x2d: {  	[sflag:s20] =	ssyncset.done $0x0  }
0x2e: {  	s1 =	simm.s32 $0x0;
	s21 =	simm.s32 $0xF000;
	[sflag:s20] =	ssyncadd.s32 $0xFFFFD800  }
0x2f: {  	[tilespmem:s21], [sflag:$0x1] =	stream.linear.gather [hbm4b:s8+s1], $0x1F40, $0x38;
	[tilespmem:$0x16E00] =	vst v63  }
0x30: {  	s22 =	simm.s32 $0x10F80  }
0x31: {  	[tilespmem:s22], [sflag:$0x1] =	stream.linear.gather [hbm4b:s9+s1], $0x1F40, $0x38;
	[tilespmem:$0x16E00] =	vst v63  }
.LBB2_4:
0x32: {  	s0 =	smul.u32 $0x3E80, s1;
	_ =	sdelay $0x1  }
0x33: {  	s6 =	sadd.s32 s0, s10  }
0x34: {  	s6 =	sshrl.u32 s6, $0x3  }
0x35: {  	s21 =	sadd.s32 s4, s6  }
0x36: {  	[tilespmem:s23], [sflag:$0x2] =	stream.linear.gather [hbm4b:s21+s3], $0x1F40, $0x38;
	[tilespmem:$0x16E00] =	vst v63  }
0x37: {  	s6 =	sadd.s32 s2, s6  }
0x38: {  	[tilespmem:s24], [sflag:$0x2] =	stream.linear.gather [hbm4b:s6+s3], $0x1F40, $0x38;
	[tilespmem:$0x16E00] =	vst v63  }
0x39: {  	_ =	swait.ge [sflag:s5], $0x1F40  }
0x3a: {  	[sflag:s5] =	ssyncset.done $0x0  }
0x3b: {  	[sflag:s5] =	ssyncadd.s32 $0xFFFFE0C0  }
0x3c: {  	_ =	swait.ge [sflag:s5], $0x1F40  }
0x3d: {  	[sflag:s5] =	ssyncset.done $0x0  }
0x3e: {  	s22 =	simm.s32 $0xF010;
	[sflag:s5] =	ssyncadd.s32 $0xFFFFE0C0  }
0x3f: {  	v1 =	vld [tilespmem:s22+$0x0];
	_ =	sdelay $0x1  }
0x40: {  	v2 =	vld [tilespmem:s22+$0xFFFFFFF0];
	_ =	sdelay $0x2  }
0x41: {  	v4 =	vand.u32 $0xFFFF, v1;
	_ =	sdelay $0x1  }
0x42: {  	v5 =	vand.u32 $0xFFFF, v2;
	_ =	sdelay $0x2  }
0x43: {  	s21 =	simm.s32 $0x10F90;
	v3 =	vld.idx.msk [tilespmem:v4+s3+$0x0], $0xffff  }
0x44: {  	v8 =	vld [tilespmem:s21+$0x0]  }
0x45: {  	v6 =	vld.idx.msk [tilespmem:v5+s3+$0x0], $0xffff  }
0x46: {  	v13 =	vld [tilespmem:s21+$0xFFFFFFF0];
	v14 =	vshrl.u32 v1, $0x10;
	_ =	sdelay $0x1  }
0x47: {  	s22 =	simm.s32 $0xF030;
	v1 =	vshrl.u32 v2, $0x10;
	v7 =	vshll.u32 v3, $0x10  }
0x48: {  	v11 =	vld [tilespmem:s22+$0x0];
	v2 =	vand.u32 $0xFFFF0000, v3;
	v3 =	vmul.f32 v7, v8  }
0x49: {  	v12 =	vld [tilespmem:s22+$0xFFFFFFF0];
	v2 =	vmul.f32 v2, v8;
	v7 =	vshll.u32 v6, $0x10  }
0x4a: {  	v7 =	vmul.f32 v7, v13;
	[tilespmem:v14+s25+$0x0] =	vst.idx.add.f32.msk $0xffff, v3  }
0x4b: {  	v6 =	vand.u32 $0xFFFF0000, v6;
	[tilespmem:v14+s26+$0x0] =	vst.idx.add.f32.msk $0xffff, v2  }
0x4c: {  	v6 =	vmul.f32 v6, v13;
	[tilespmem:v1+s25+$0x0] =	vst.idx.add.f32.msk $0xffff, v7  }
0x4d: {  	v4 =	vld.idx.msk [tilespmem:v4+s19+$0x0], $0xffff  }
0x4e: {  	v3 =	vand.u32 $0xFFFF, v11;
	[tilespmem:v1+s26+$0x0] =	vst.idx.add.f32.msk $0xffff, v6  }
0x4f: {  	v2 =	vand.u32 $0xFFFF, v12;
	v5 =	vld.idx.msk [tilespmem:v5+s19+$0x0], $0xffff;
	_ =	sdelay $0x1  }
0x50: {  	s21 =	simm.s32 $0x10FB0  }
0x51: {  	v7 =	vld [tilespmem:s21+$0x0];
	v6 =	vshll.u32 v4, $0x10  }
0x52: {  	v10 =	vld.idx.msk [tilespmem:v3+s3+$0x0], $0xffff;
	v4 =	vand.u32 $0xFFFF0000, v4;
	v15 =	vmul.f32 v6, v8  }
0x53: {  	v9 =	vld.idx.msk [tilespmem:v2+s3+$0x0], $0xffff;
	v16 =	vmul.f32 v4, v8;
	v8 =	vshll.u32 v5, $0x10;
	v5 =	vand.u32 $0xFFFF0000, v5  }
0x54: {  	v6 =	vld [tilespmem:s21+$0xFFFFFFF0]  }
0x55: {  	v11 =	vshrl.u32 v11, $0x10;
	v4 =	vshrl.u32 v12, $0x10;
	[tilespmem:v14+s28+$0x0] =	vst.idx.add.f32.msk $0xffff, v15  }
0x56: {  	s6 =	simm.s32 $0xF050;
	s22 =	simm.s32 $0x2;
	v12 =	vmul.f32 v8, v13;
	v8 =	vmul.f32 v5, v13;
	[tilespmem:v14+s29+$0x0] =	vst.idx.add.f32.msk $0xffff, v16;
	v5 =	vmov v11  }
.LBB2_5:
0x57: {  	v13 =	vld [tilespmem:s6+$0x0];
	v14 =	vshll.u32 v10, $0x10  }
0x58: {  	v16 =	vshll.u32 v9, $0x10;
	v10 =	vand.u32 $0xFFFF0000, v10;
	v15 =	vld [tilespmem:s6+$0xFFFFFFF0];
	v18 =	vmul.f32 v14, v7;
	v17 =	vmovc v7  }
0x59: {  	s22 =	sadd.s32 $0x2, s22;
	v7 =	vand.u32 $0xFFFF0000, v9;
	v9 =	vmul.f32 v16, v6;
	v10 =	vmul.f32 v10, v17;
	[tilespmem:v1+s28+$0x0] =	vst.idx.add.f32.msk $0xffff, v12  }
0x5a: {  	p0 =	slt.u32 s22, $0x1F2;
	v7 =	vmul.f32 v7, v6;
	[tilespmem:v11+s25+$0x0] =	vst.idx.add.f32.msk $0xffff, v18;
	v14 =	vmov v6  }
0x5b: {  	[tilespmem:v5+s26+$0x0] =	vst.idx.add.f32.msk $0xffff, v10  }
0x5c: {  	v6 =	vld.idx.msk [tilespmem:v3+s19+$0x0], $0xffff;
	v3 =	vand.u32 $0xFFFF, v13  }
0x5d: {  	v10 =	vshrl.u32 v15, $0x10;
	v11 =	vand.u32 $0xFFFF, v15;
	[tilespmem:v4+s25+$0x0] =	vst.idx.add.f32.msk $0xffff, v9  }
0x5e: {  	[tilespmem:v4+s26+$0x0] =	vst.idx.add.f32.msk $0xffff, v7  }
0x5f: {  	v12 =	vld.idx.msk [tilespmem:v2+s19+$0x0], $0xffff;
	v2 =	vmov v11  }
0x60: {  	[tilespmem:v1+s29+$0x0] =	vst.idx.add.f32.msk $0xffff, v8;
	v1 =	vmov v4;
	v4 =	vmov v10  }
0x61: {  	v10 =	vld.idx.msk [tilespmem:v3+s3+$0x0], $0xffff  }
.Ltmp1:
0x62: {  	s21 =	sadd.s32 $0x20, s21;
	v8 =	vshll.u32 v6, $0x10;
	v9 =	vld.idx.msk [tilespmem:v11+s3+$0x0], $0xffff;
	(pc) =	sbr.rel @p0 .LBB2_5-.Ltmp1, $4  }
0x63: {  	v11 =	vand.u32 $0xFFFF0000, v6;
	v8 =	vmul.f32 v8, v17;
	v7 =	vld [tilespmem:s21+$0x0]  }
0x64: {  	v15 =	vmul.f32 v11, v17;
	v6 =	vld [tilespmem:s21+$0xFFFFFFF0]  }
0x65: {  	v11 =	vshrl.u32 v13, $0x10;
	v13 =	vshll.u32 v12, $0x10;
	v16 =	vand.u32 $0xFFFF0000, v12;
	[tilespmem:v5+s28+$0x0] =	vst.idx.add.f32.msk $0xffff, v8  }
0x66: {  	s6 =	sadd.s32 $0x20, s6;
	v12 =	vmul.f32 v13, v14;
	v8 =	vmul.f32 v16, v14;
	[tilespmem:v5+s29+$0x0] =	vst.idx.add.f32.msk $0xffff, v15;
	v5 =	vmov v11  }
0x67: {  	_ = 	snop  }
0x68: {  	v13 =	vshll.u32 v10, $0x10  }
0x69: {  	v10 =	vand.u32 $0xFFFF0000, v10;
	v13 =	vmul.f32 v13, v7  }
0x6a: {  	v10 =	vmul.f32 v10, v7  }
0x6b: {  	v14 =	vshll.u32 v9, $0x10;
	[tilespmem:v11+s25+$0x0] =	vst.idx.add.f32.msk $0xffff, v13  }
0x6c: {  	v9 =	vand.u32 $0xFFFF0000, v9;
	v11 =	vmul.f32 v14, v6;
	[tilespmem:v5+s26+$0x0] =	vst.idx.add.f32.msk $0xffff, v10  }
0x6d: {  	v9 =	vmul.f32 v9, v6;
	v3 =	vld.idx.msk [tilespmem:v3+s19+$0x0], $0xffff  }
0x6e: {  	[tilespmem:v4+s25+$0x0] =	vst.idx.add.f32.msk $0xffff, v11  }
0x6f: {  	[tilespmem:v4+s26+$0x0] =	vst.idx.add.f32.msk $0xffff, v9  }
0x70: {  	v2 =	vld.idx.msk [tilespmem:v2+s19+$0x0], $0xffff;
	_ =	sdelay $0x2  }
0x71: {  	v9 =	vshll.u32 v3, $0x10  }
0x72: {  	[tilespmem:v1+s28+$0x0] =	vst.idx.add.f32.msk $0xffff, v12;
	v3 =	vand.u32 $0xFFFF0000, v3;
	v9 =	vmul.f32 v9, v7  }
0x73: {  	[tilespmem:v1+s29+$0x0] =	vst.idx.add.f32.msk $0xffff, v8;
	v1 =	vmul.f32 v3, v7;
	v3 =	vshll.u32 v2, $0x10  }
0x74: {  	p0 =	seq.s32 s1, $0x9;
	v2 =	vand.u32 $0xFFFF0000, v2;
	[tilespmem:v5+s28+$0x0] =	vst.idx.add.f32.msk $0xffff, v9;
	v3 =	vmul.f32 v3, v6  }
0x75: {  	s0 =	sadd.s32 @!p0 s0, s11;
	v2 =	vmul.f32 v2, v6;
	[tilespmem:v5+s29+$0x0] =	vst.idx.add.f32.msk $0xffff, v1  }
0x76: {  	s0 =	sshrl.u32 @!p0 s0, $0x3;
	[tilespmem:v4+s28+$0x0] =	vst.idx.add.f32.msk $0xffff, v3  }
0x77: {  	s21 =	simm.s32 @!p0 $0x0;
	s22 =	simm.s32 @!p0 $0xF000;
	s6 =	sadd.s32 @!p0 s4, s0;
	[tilespmem:v4+s29+$0x0] =	vst.idx.add.f32.msk $0xffff, v2  }
0x78: {  	[tilespmem:s22], [sflag:$0x1] =	stream.linear.gather @!p0 [hbm4b:s6+s21], $0x1F40, $0x38;
	[tilespmem:$0x16E00] =	vst v63  }
0x79: {  	s0 =	sadd.s32 @!p0 s2, s0;
	s6 =	simm.s32 @!p0 $0x10F80  }
0x7a: {  	[tilespmem:s6], [sflag:$0x1] =	stream.linear.gather @!p0 [hbm4b:s0+s21], $0x1F40, $0x38;
	[tilespmem:$0x16E00] =	vst v63  }
0x7b: {  	_ =	swait.ge [sflag:s30], $0x1F40  }
0x7c: {  	[sflag:s30] =	ssyncset.done $0x0  }
0x7d: {  	[sflag:s30] =	ssyncadd.s32 $0xFFFFE0C0  }
0x7e: {  	_ =	swait.ge [sflag:s30], $0x1F40  }
0x7f: {  	[sflag:s30] =	ssyncset.done $0x0  }
0x80: {  	s6 =	simm.s32 $0x12F10;
	[sflag:s30] =	ssyncadd.s32 $0xFFFFE0C0  }
0x81: {  	v1 =	vld [tilespmem:s6+$0x0];
	_ =	sdelay $0x1  }
0x82: {  	v2 =	vld [tilespmem:s6+$0xFFFFFFF0];
	_ =	sdelay $0x2  }
0x83: {  	v4 =	vand.u32 $0xFFFF, v1;
	_ =	sdelay $0x1  }
0x84: {  	v5 =	vand.u32 $0xFFFF, v2;
	_ =	sdelay $0x2  }
0x85: {  	s21 =	simm.s32 $0x14E90;
	v3 =	vld.idx.msk [tilespmem:v4+s3+$0x0], $0xffff  }
0x86: {  	v8 =	vld [tilespmem:s21+$0x0]  }
0x87: {  	v6 =	vld.idx.msk [tilespmem:v5+s3+$0x0], $0xffff  }
0x88: {  	v13 =	vld [tilespmem:s21+$0xFFFFFFF0];
	v14 =	vshrl.u32 v1, $0x10;
	_ =	sdelay $0x1  }
0x89: {  	s22 =	simm.s32 $0x12F30;
	v1 =	vshrl.u32 v2, $0x10;
	v7 =	vshll.u32 v3, $0x10  }
0x8a: {  	v11 =	vld [tilespmem:s22+$0x0];
	v2 =	vand.u32 $0xFFFF0000, v3;
	v3 =	vmul.f32 v7, v8  }
0x8b: {  	v12 =	vld [tilespmem:s22+$0xFFFFFFF0];
	v2 =	vmul.f32 v2, v8;
	v7 =	vshll.u32 v6, $0x10  }
0x8c: {  	v7 =	vmul.f32 v7, v13;
	[tilespmem:v14+s25+$0x0] =	vst.idx.add.f32.msk $0xffff, v3  }
0x8d: {  	v6 =	vand.u32 $0xFFFF0000, v6;
	[tilespmem:v14+s26+$0x0] =	vst.idx.add.f32.msk $0xffff, v2  }
0x8e: {  	v6 =	vmul.f32 v6, v13;
	[tilespmem:v1+s25+$0x0] =	vst.idx.add.f32.msk $0xffff, v7  }
0x8f: {  	v4 =	vld.idx.msk [tilespmem:v4+s19+$0x0], $0xffff  }
0x90: {  	v3 =	vand.u32 $0xFFFF, v11;
	[tilespmem:v1+s26+$0x0] =	vst.idx.add.f32.msk $0xffff, v6  }
0x91: {  	v2 =	vand.u32 $0xFFFF, v12;
	v5 =	vld.idx.msk [tilespmem:v5+s19+$0x0], $0xffff;
	_ =	sdelay $0x1  }
0x92: {  	s0 =	simm.s32 $0x14EB0  }
0x93: {  	v7 =	vld [tilespmem:s0+$0x0];
	v6 =	vshll.u32 v4, $0x10  }
0x94: {  	v10 =	vld.idx.msk [tilespmem:v3+s3+$0x0], $0xffff;
	v4 =	vand.u32 $0xFFFF0000, v4;
	v15 =	vmul.f32 v6, v8  }
0x95: {  	v9 =	vld.idx.msk [tilespmem:v2+s3+$0x0], $0xffff;
	v16 =	vmul.f32 v4, v8;
	v8 =	vshll.u32 v5, $0x10;
	v5 =	vand.u32 $0xFFFF0000, v5  }
0x96: {  	v6 =	vld [tilespmem:s0+$0xFFFFFFF0]  }
0x97: {  	v11 =	vshrl.u32 v11, $0x10;
	v4 =	vshrl.u32 v12, $0x10;
	[tilespmem:v14+s28+$0x0] =	vst.idx.add.f32.msk $0xffff, v15  }
0x98: {  	s21 =	simm.s32 $0x2;
	s6 =	simm.s32 $0x12F50;
	v12 =	vmul.f32 v8, v13;
	v8 =	vmul.f32 v5, v13;
	[tilespmem:v14+s29+$0x0] =	vst.idx.add.f32.msk $0xffff, v16;
	v5 =	vmov v11  }
.LBB2_7:
0x99: {  	v13 =	vld [tilespmem:s6+$0x0];
	v14 =	vshll.u32 v10, $0x10  }
0x9a: {  	v16 =	vshll.u32 v9, $0x10;
	v10 =	vand.u32 $0xFFFF0000, v10;
	v15 =	vld [tilespmem:s6+$0xFFFFFFF0];
	v18 =	vmul.f32 v14, v7;
	v17 =	vmovc v7  }
0x9b: {  	s21 =	sadd.s32 $0x2, s21;
	v7 =	vand.u32 $0xFFFF0000, v9;
	v9 =	vmul.f32 v16, v6;
	v10 =	vmul.f32 v10, v17;
	[tilespmem:v1+s28+$0x0] =	vst.idx.add.f32.msk $0xffff, v12  }
0x9c: {  	p0 =	slt.u32 s21, $0x1F2;
	v7 =	vmul.f32 v7, v6;
	[tilespmem:v11+s25+$0x0] =	vst.idx.add.f32.msk $0xffff, v18;
	v14 =	vmov v6  }
0x9d: {  	[tilespmem:v5+s26+$0x0] =	vst.idx.add.f32.msk $0xffff, v10  }
0x9e: {  	v6 =	vld.idx.msk [tilespmem:v3+s19+$0x0], $0xffff;
	v3 =	vand.u32 $0xFFFF, v13  }
0x9f: {  	v10 =	vshrl.u32 v15, $0x10;
	v11 =	vand.u32 $0xFFFF, v15;
	[tilespmem:v4+s25+$0x0] =	vst.idx.add.f32.msk $0xffff, v9  }
0xa0: {  	[tilespmem:v4+s26+$0x0] =	vst.idx.add.f32.msk $0xffff, v7  }
0xa1: {  	v12 =	vld.idx.msk [tilespmem:v2+s19+$0x0], $0xffff;
	v2 =	vmov v11  }
0xa2: {  	[tilespmem:v1+s29+$0x0] =	vst.idx.add.f32.msk $0xffff, v8;
	v1 =	vmov v4;
	v4 =	vmov v10  }
0xa3: {  	v10 =	vld.idx.msk [tilespmem:v3+s3+$0x0], $0xffff  }
.Ltmp2:
0xa4: {  	s0 =	sadd.s32 $0x20, s0;
	v8 =	vshll.u32 v6, $0x10;
	v9 =	vld.idx.msk [tilespmem:v11+s3+$0x0], $0xffff;
	(pc) =	sbr.rel @p0 .LBB2_7-.Ltmp2, $4  }
0xa5: {  	v11 =	vand.u32 $0xFFFF0000, v6;
	v8 =	vmul.f32 v8, v17;
	v7 =	vld [tilespmem:s0+$0x0]  }
0xa6: {  	v15 =	vmul.f32 v11, v17;
	v6 =	vld [tilespmem:s0+$0xFFFFFFF0]  }
0xa7: {  	v11 =	vshrl.u32 v13, $0x10;
	v13 =	vshll.u32 v12, $0x10;
	v16 =	vand.u32 $0xFFFF0000, v12;
	[tilespmem:v5+s28+$0x0] =	vst.idx.add.f32.msk $0xffff, v8  }
0xa8: {  	s6 =	sadd.s32 $0x20, s6;
	v12 =	vmul.f32 v13, v14;
	v8 =	vmul.f32 v16, v14;
	[tilespmem:v5+s29+$0x0] =	vst.idx.add.f32.msk $0xffff, v15;
	v5 =	vmov v11  }
0xa9: {  	_ = 	snop  }
0xaa: {  	v13 =	vshll.u32 v10, $0x10  }
0xab: {  	v60 =	vand.u32 $0xFFFF0000, v10;
	v13 =	vmul.f32 v13, v7  }
0xac: {  	v14 =	vshll.u32 v9, $0x10;
	v10 =	vmul.f32 v60, v7  }
0xad: {  	v62 =	vmul.f32 v14, v6;
	[tilespmem:v11+s25+$0x0] =	vst.idx.add.f32.msk $0xffff, v13  }
0xae: {  	v61 =	vand.u32 $0xFFFF0000, v9;
	[tilespmem:v5+s26+$0x0] =	vst.idx.add.f32.msk $0xffff, v10  }
0xaf: {  	v9 =	vmul.f32 v61, v6;
	[tilespmem:v4+s25+$0x0] =	vst.idx.add.f32.msk $0xffff, v62  }
0xb0: {  	v3 =	vld.idx.msk [tilespmem:v3+s19+$0x0], $0xffff  }
0xb1: {  	[tilespmem:v4+s26+$0x0] =	vst.idx.add.f32.msk $0xffff, v9  }
0xb2: {  	v2 =	vld.idx.msk [tilespmem:v2+s19+$0x0], $0xffff;
	_ =	sdelay $0x2  }
0xb3: {  	s1 =	sadd.s32 $0x1, s1;
	v63 =	vshll.u32 v3, $0x10  }
0xb4: {  	[tilespmem:v1+s28+$0x0] =	vst.idx.add.f32.msk $0xffff, v12;
	p0 =	sne.s32 s1, $0xA;
	v3 =	vand.u32 $0xFFFF0000, v3;
	v9 =	vmul.f32 v63, v7  }
.Ltmp3:
0xb5: {  	[tilespmem:v1+s29+$0x0] =	vst.idx.add.f32.msk $0xffff, v8;
	v1 =	vmul.f32 v3, v7;
	v3 =	vshll.u32 v2, $0x10;
	(pc) =	sbr.rel @p0 .LBB2_4-.Ltmp3, $4  }
0xb6: {  	v2 =	vand.u32 $0xFFFF0000, v2;
	v3 =	vmul.f32 v3, v6;
	[tilespmem:v5+s28+$0x0] =	vst.idx.add.f32.msk $0xffff, v9  }
0xb7: {  	v2 =	vmul.f32 v2, v6;
	[tilespmem:v5+s29+$0x0] =	vst.idx.add.f32.msk $0xffff, v1  }
0xb8: {  	[tilespmem:v4+s28+$0x0] =	vst.idx.add.f32.msk $0xffff, v3  }
0xb9: {  	[tilespmem:v4+s29+$0x0] =	vst.idx.add.f32.msk $0xffff, v2  }
0xba: {  	[hbm4b:s12+s17] =	stream.strided.scatter [tilespmem:s25], [sflag:$0x3], $0x2800, s18, s17, $0x38;
	[tilespmem:$0x16E00] =	vst v63  }
0xbb: {  	_ = 	snop  }
0xbc: {  	[hbm4b:s13+s17] =	stream.strided.scatter [tilespmem:s26], [sflag:$0x3], $0x2800, s18, s17, $0x38;
	[tilespmem:$0x16E00] =	vst v63  }
0xbd: {  	_ = 	snop  }
0xbe: {  	[hbm4b:s14+s17] =	stream.strided.scatter [tilespmem:s28], [sflag:$0x3], $0x2800, s18, s17, $0x38;
	[tilespmem:$0x16E00] =	vst v63  }
0xbf: {  	_ = 	snop  }
0xc0: {  	[hbm4b:s15+s17] =	stream.strided.scatter [tilespmem:s29], [sflag:$0x3], $0x2800, s18, s17, $0x38;
	[tilespmem:$0x16E00] =	vst v63  }
0xc1: {  	_ =	swait.ge [sflag:s20], $0x2800  }
0xc2: {  	[sflag:s20] =	ssyncset.done $0x0  }
0xc3: {  	[sflag:s20] =	ssyncadd.s32 $0xFFFFD800  }
0xc4: {  	_ =	swait.ge [sflag:s20], $0x2800  }
0xc5: {  	[sflag:s20] =	ssyncset.done $0x0  }
0xc6: {  	s31 =	sadd.s32 $0x1, s31;
	[sflag:s20] =	ssyncadd.s32 $0xFFFFD800  }
0xc7: {  	p0 =	sne.s32 s31, s16;
	_ =	swait.ge [sflag:s20], $0x2800  }
.Ltmp4:
0xc8: {  	[sflag:s20] =	ssyncset.done $0x0;
	(pc) =	sbr.rel @p0 .LBB2_1-.Ltmp4, $4  }
0xc9: {  	[sflag:s20] =	ssyncadd.s32 $0xFFFFD800  }
0xca: {  	_ =	swait.ge [sflag:s20], $0x2800  }
0xcb: {  	[sflag:s20] =	ssyncset.done $0x0  }
0xcc: {  	[sflag:s20] =	ssyncadd.s32 $0xFFFFD800  }
0xcd: {  	_ =	sfence.sel $0x180000  }
0xce: {  	[bflag:$0x0] =	sbarrier.arrive $0xFFFF  }
0xcf: {  	_ =	strace $0x9000004A  }
0xd0: {  	s0 =	stileid.u32;
	[bflag:$0x2] =	sbarrier.arrive $0xFFFF  }
0xd1: {  	p0 =	sne.s32 s0, $0x0;
	s0 =	rddreg [dreg:$0x3]  }
0xd2: {  	s0 =	sadd.s32 @!p0 $0x100000, s0  }
0xd3: {  	[sflag:s0] =	ssyncadd.tile.s32 @!p0 $0x1;
	_ =	shalt  }
.Lfunc_end2:
_tile_overlayer_lowered:
.L_overlay_start_2:
0xd4: {  	(tag) =	ssettag $0x2  }
0xd5: {  	s0 =	rddreg [dreg:$0x0];
	s2 =	stileid.u32  }
0xd6: {  	s1 =	rddreg [dreg:$0x1];
	p0 =	sne.s32 s2, $0x0  }
0xd7: {  	s3 =	rddreg [dreg:$0x2];
	[bflag:$0x3] =	sbarrier.arrive $0xFFFF;
	s2 =	simm.s32 @!p0 $0x1C04  }
0xd8: {  	[timem:s3], [sflag:s2] =	dma.local @!p0 [hbm:s0], s1  }
0xd9: {  	s0 =	simm.s32 @!p0 $0x4  }
0xda: {  	_ =	swait.ge @!p0 [sflag:s0], s1  }
0xdb: {  	s1 =	ssub.s32 @!p0 $0x0, s1;
	[sflag:s0] =	ssyncset.done @!p0 $0x0  }
0xdc: {  	[sflag:s0] =	ssyncadd.s32 @!p0 s1  }
0xdd: {  	[bflag:$0x3] =	sbarrier.arrive $0xFFFF  }
0xde: {  	_ =	shalt  }

// kernel: kernel.14.cloned.1.call-start
scs
__scs_entry_jumppad:
0x0: {  	(pc) =	sbr.rel $0x88, $3  }
0x1: {  	(tag) =	ssettag $0x0;
	lr =	simm.s32 $0x1  }
0x2: {  	[smem:$0x3F98] =	sst lr;
	_ =	strace $0xD0000000  }
0x3: {  	_ = 	snop  }
0x4: {  	_ = 	snop  }
0x5: {  	_ = 	snop  }
0x6: {  	_ = 	snop  }
0x7: {  	_ = 	snop  }
__scs_overlays_trampoline_lowered:
0x8: {  	[smem:$0x3FA7] =	sst s0  }
0x9: {  	[smem:$0x3FA8] =	sst s1  }
0xa: {  	[smem:$0x3FA9] =	sst s2  }
0xb: {  	[smem:$0x3FAA] =	sst s3  }
0xc: {  	[smem:$0x3FAB] =	sst s4  }
0xd: {  	[smem:$0x3FAC] =	sst s5  }
0xe: {  	[smem:$0x3FAD] =	sst s6  }
0xf: {  	[smem:$0x3FAE] =	sst s7  }
0x10: {  	[smem:$0x3FAF] =	sst s8  }
0x11: {  	[smem:$0x3FB0] =	sst s9;
	s0 =	simm.s32 @!p0 $0x0  }
0x12: {  	s1 =	sld [smem:$0x3F96];
	s0 =	simm.s32 @p0 $0x1  }
0x13: {  	[smem:$0x3FB1] =	sst s0;
	s0 =	simm.s32 @!p1 $0x0  }
0x14: {  	s2 =	sld [smem:$0x3F95];
	s0 =	simm.s32 @p1 $0x1  }
0x15: {  	[smem:$0x3FB2] =	sst s0;
	s0 =	simm.s32 @!p2 $0x0  }
0x16: {  	s3 =	sld [smem:$0x3FDB];
	s0 =	simm.s32 @p2 $0x1  }
0x17: {  	s4 =	simm.s32 $0x1BF5;
	[smem:$0x3FB4] =	sst s0  }
0x18: {  	s0 =	sld [smem:$0x3F97];
	_ =	swait.ge [sflag:s4], $0x0  }
0x19: {  	s7 =	sld [smem:$0x3F98]  }
0x1a: {  	s8 =	sadd.s32 $0xFFFFE003, lr  }
0x1b: {  	s9 =	sadd.s32 $0xFFFFFEF7, lr;
	s5 =	simm.s32 $0xFFFFFFFF;
	p2 =	slt.u32 s8, $0xFFFFF086  }
0x1c: {  	p1 =	slt.u32 s9, $0xF7A;
	s5 =	simm.s32 @!p2 $0x0  }
0x1d: {  	s5 =	simm.s32 @p1 $0x1;
	p0 =	seq.s32 s7, s2  }
0x1e: {  	s7 =	smul.u32 @!p0 $0xF7A, s2;
	p2 =	seq.s32 @!p0 s5, $0x0  }
0x1f: {  	s9 =	smul.u32 $0xF7A, s1;
	s8 =	simm.s32 @!p0 $0x1BF5;
	p2 =	por !p2, p0  }
0x20: {  	[sflag:s8] =	ssyncset.s32 @!p0 $0xFFFFF086;
	s6 =	sadd.s32 @!p0 s3, s7;
	s7 =	simm.s32 @!p0 $0x108  }
0x21: {  	s3 =	sadd.s32 s3, s9;
	s6 =	sadd.s32 @!p0 $0x88, s6;
	s7 =	simm.s32 @p2 $0x1082  }
0x22: {  	[simem:s7], [sflag:s8] =	dma.local @!p0 [hbm:s6], $0xF7A  }
0x23: {  	s9 =	sor.u32 $0xD0000000, s2;
	s6 =	simm.s32 $0x108;
	_ =	swait.ge @!p0 [sflag:s8], $0x0  }
0x24: {  	s3 =	sadd.s32 $0x88, s3;
	s6 =	simm.s32 @!p1 $0x1082;
	[sflag:s4] =	ssyncset.s32 $0xFFFFF086  }
0x25: {  	[simem:s6], [sflag:s4] =	dma.local [hbm:s3], $0xF7A  }
0x26: {  	[smem:$0x3F98] =	sst s1;
	(tag) =	ssettag s2;
	_ =	strace s9  }
0x27: {  	s1 =	sld [smem:$0x3FA8]  }
0x28: {  	s2 =	sld [smem:$0x3FA9]  }
0x29: {  	s4 =	sld [smem:$0x3FAB]  }
0x2a: {  	p0 =	seq.s32 s5, $0x0;
	s5 =	sld [smem:$0x3FAC]  }
0x2b: {  	s6 =	sld [smem:$0x3FAD]  }
0x2c: {  	s7 =	sld [smem:$0x3FAE]  }
0x2d: {  	s3 =	simm.s32 $0x108;
	s8 =	sld [smem:$0x3FAF]  }
0x2e: {  	s3 =	simm.s32 @!p0 $0x1082;
	s9 =	sld [smem:$0x3FB0]  }
0x2f: {  	lr =	sadd.s32 s0, s3;
	s0 =	sld [smem:$0x3FA7]  }
0x30: {  	s3 =	sld [smem:$0x3FAA]  }
0x31: {  	[smem:$0x3FB3] =	sst s10  }
0x32: {  	s10 =	sld [smem:$0x3FB1];
	_ =	sdelay $0x3  }
0x33: {  	p0 =	seq.s32 s10, $0x1;
	s10 =	sld [smem:$0x3FB3];
	_ =	sdelay $0x3  }
0x34: {  	[smem:$0x3FB3] =	sst s10  }
0x35: {  	s10 =	sld [smem:$0x3FB2];
	_ =	sdelay $0x3  }
0x36: {  	p1 =	seq.s32 s10, $0x1;
	s10 =	sld [smem:$0x3FB3];
	_ =	sdelay $0x3  }
0x37: {  	[smem:$0x3FB3] =	sst s10  }
0x38: {  	s10 =	sld [smem:$0x3FB4]  }
0x39: {  	_ = 	snop;
	(pc) =	sbr.ind lr, $3  }
0x3a: {  	_ = 	snop  }
0x3b: {  	_ = 	snop  }
0x3c: {  	p2 =	seq.s32 s10, $0x1;
	s10 =	sld [smem:$0x3FB3]  }
0x3d: {  	_ =	shalt  }
0x3e: {  	_ =	shalt  }
0x3f: {  	_ =	shalt  }
0x40: {  	_ =	shalt  }
0x41: {  	_ =	shalt  }
0x42: {  	_ =	shalt  }
0x43: {  	_ =	shalt  }
0x44: {  	_ =	shalt  }
0x45: {  	_ =	shalt  }
0x46: {  	_ =	shalt  }
0x47: {  	_ =	shalt  }
0x48: {  	_ =	shalt  }
0x49: {  	_ =	shalt  }
0x4a: {  	_ =	shalt  }
0x4b: {  	_ =	shalt  }
0x4c: {  	_ =	shalt  }
0x4d: {  	_ =	shalt  }
0x4e: {  	_ =	shalt  }
0x4f: {  	_ =	shalt  }
0x50: {  	_ =	shalt  }
0x51: {  	_ =	shalt  }
0x52: {  	_ =	shalt  }
0x53: {  	_ =	shalt  }
0x54: {  	_ =	shalt  }
0x55: {  	_ =	shalt  }
0x56: {  	_ =	shalt  }
0x57: {  	_ =	shalt  }
0x58: {  	_ =	shalt  }
0x59: {  	_ =	shalt  }
0x5a: {  	_ =	shalt  }
0x5b: {  	_ =	shalt  }
0x5c: {  	_ =	shalt  }
0x5d: {  	_ =	shalt  }
0x5e: {  	_ =	shalt  }
0x5f: {  	_ =	shalt  }
0x60: {  	_ =	shalt  }
0x61: {  	_ =	shalt  }
0x62: {  	_ =	shalt  }
0x63: {  	_ =	shalt  }
0x64: {  	_ =	shalt  }
0x65: {  	_ =	shalt  }
0x66: {  	_ =	shalt  }
0x67: {  	_ =	shalt  }
0x68: {  	_ =	shalt  }
0x69: {  	_ =	shalt  }
0x6a: {  	_ =	shalt  }
0x6b: {  	_ =	shalt  }
0x6c: {  	_ =	shalt  }
0x6d: {  	_ =	shalt  }
0x6e: {  	_ =	shalt  }
0x6f: {  	_ =	shalt  }
0x70: {  	_ =	shalt  }
0x71: {  	_ =	shalt  }
0x72: {  	_ =	shalt  }
0x73: {  	_ =	shalt  }
0x74: {  	_ =	shalt  }
0x75: {  	_ =	shalt  }
0x76: {  	_ =	shalt  }
0x77: {  	_ =	shalt  }
0x78: {  	_ =	shalt  }
0x79: {  	_ =	shalt  }
0x7a: {  	_ =	shalt  }
0x7b: {  	_ =	shalt  }
0x7c: {  	_ =	shalt  }
0x7d: {  	_ =	shalt  }
0x7e: {  	_ =	shalt  }
0x7f: {  	_ =	shalt  }
0x80: {  	_ =	shalt  }
0x81: {  	_ =	shalt  }
0x82: {  	_ =	shalt  }
0x83: {  	_ =	shalt  }
0x84: {  	_ =	shalt  }
0x85: {  	_ =	shalt  }
0x86: {  	_ =	shalt  }
0x87: {  	_ =	shalt  }
.Lfunc_end0:
.L_simem_size_0:
called_computation.2_lowered:
.L_overlay_start_0:
0x88: {  	s2 =	sld [smem:$0x3FD9]  }
0x89: {  	s3 =	sld [smem:$0x3FFE];
	_ =	sdelay $0x1  }
0x8a: {  	s1 =	srdreg.scid  }
0x8b: {  	s0 =	sand.u32 $0x1, s1  }
0x8c: {  	s17 =	sshll.u32 s0, $0xA;
	s2 =	sadd.s32 s3, s2  }
0x8d: {  	s2 =	sadd.s32 s2, s17  }
0x8e: {  	[smem:$0x3FBF] =	sst s2  }
0x8f: {  	_ = 	snop  }
0x90: {  	s2 =	sld [smem:$0x3FC7]  }
0x91: {  	s18 =	sld [smem:$0x3FD0];
	(tm) =	ssettm $0x1  }
0x92: {  	s4 =	sld [smem:$0x3FFB];
	_ =	sdelay $0x3  }
0x93: {  	_ =	strace s4  }
0x94: {  	s4 =	sld [smem:$0x3FFC];
	_ =	sdelay $0x3  }
0x95: {  	_ =	strace s4  }
0x96: {  	s4 =	sld [smem:$0x3FFD];
	_ =	sdelay $0x3  }
0x97: {  	_ =	strace s4  }
0x98: {  	_ =	strace $0x8FFFFFFF  }
0x99: {  	s19 =	sld [smem:$0x3FDB];
	_ =	sdelay $0x1  }
0x9a: {  	s5 =	simm.s32 $_scs_section_size  }
0x9b: {  	s6 =	simm.s32 $_size__tile_overlayer_lowered;
	s7 =	simm.s32 $_tile_overlayer_lowered  }
0x9c: {  	s22 =	simm.s32 $0x1BFF;
	s21 =	sshll.u32 s7, $0x1;
	s4 =	sadd.s32 s5, s19  }
0x9d: {  	s8 =	simm.s32 $0x0;
	s20 =	sshll.u32 s6, $0x1;
	s6 =	sadd.s32 s21, s4  }
0x9e: {  	[timem:s8], [sflag:s22] =	dma.local [hbm:s6], s20  }
0x9f: {  	_ =	swait.ge [sflag:s22], s20  }
0xa0: {  	s5 =	ssub.s32 $0x0, s20;
	[sflag:s22] =	ssyncset.done $0x0  }
0xa1: {  	[sflag:s22] =	ssyncadd.s32 s5;
	_ =	sdelay $0x1  }
0xa2: {  	s23 =	simm.s32 $0x1B8B  }
0xa3: {  	_ =	swait.ge [sflag:s23], $0x1  }
0xa4: {  	[sflag:s23] =	ssyncset.done $0x0  }
0xa5: {  	s25 =	simm.s32 $0x1B8E;
	s24 =	sld [smem:$0x3FFE];
	[sflag:s23] =	ssyncadd.s32 $0xFFFFFFFF  }
0xa6: {  	s26 =	simm.s32 $execute0_lowered;
	[smem:$0x3FD2] =	sst s25  }
0xa7: {  	s6 =	sshll.u32 s26, $0x1;
	_ =	strace $0x8000004C;
	[dreg:$0x1] =	wrdreg $0xFFFFFFFF  }
0xa8: {  	s28 =	simm.s32 $_size_execute0_lowered;
	s4 =	sadd.s32 s4, s6;
	[dreg:$0x0] =	wrdreg $0x0  }
0xa9: {  	s6 =	sshll.u32 s28, $0x1;
	[dreg:$0x2] =	wrdreg s4  }
0xaa: {  	[dreg:$0x3] =	wrdreg s6  }
0xab: {  	[dreg:$0x4] =	wrdreg $0xC0  }
0xac: {  	_ =	task [dreg:s8], $0x5FFFF  }
0xad: {  	[dreg:$0x1] =	wrdreg $0xFFFFFFFF  }
0xae: {  	[dreg:$0x0] =	wrdreg $0x60  }
0xaf: {  	[dreg:$0x2] =	wrdreg s18  }
0xb0: {  	[dreg:$0x3] =	wrdreg s24  }
0xb1: {  	[dreg:$0x4] =	wrdreg s2  }
0xb2: {  	[dreg:$0x5] =	wrdreg $0x9  }
0xb3: {  	_ =	task.clear_ibuf [dreg:s8], $0x6FFFF;
	_ =	strace $0x9000004C  }
0xb4: {  	s29 =	simm.s32 $0x9;
	_ =	strace $0x8000004E  }
0xb5: {  	_ =	swait.ge [sflag:s29], $0x1  }
0xb6: {  	[sflag:s29] =	ssyncadd.s32 $0xFFFFFFFF  }
0xb7: {  	_ =	strace $0x9000004E  }
0xb8: {  	_ =	sfence  }
0xb9: {  	s30 =	sld [smem:$0x0];
	_ =	sdelay $0x2  }
0xba: {  	s31 =	sshll.u32 s1, $0xD;
	s1 =	sshrl.u32 s1, $0x2  }
0xbb: {  	s3 =	sand.u32 $0x4000, s31;
	s1 =	sadd.s32 s1, s30  }
0xbc: {  	s0 =	sor.u32 s3, s0;
	s1 =	sshll.u32 s1, $0x11  }
0xbd: {  	s0 =	sor.u32 s1, s0  }
0xbe: {  	s0 =	sadd.s32 $0x8F2B, s0  }
0xbf: {  	[sflag:s0] =	ssyncadd.remote.s32 $0x1  }
0xc0: {  	_ =	sfence.sel $0xFFFF  }
0xc1: {  	[dreg:$0x0] =	wrdreg $0xFFFFFFFF;
	(pc) =	sbr.abs _section_cstart, $3  }
0xc2: {  	[dreg:$0x1] =	wrdreg $0xFFFFFFFF  }
0xc3: {  	_ =	task.clear_ibuf [dreg:s8], $0x2FFFF;
	_ =	strace $0x9FFFFFFF  }
0xc4: {  	(tm) =	ssettm $0x7FFFFFFF  }
0xc5: {  	_ =	shalt  }
tec
execute0_lowered:
.L_overlay_start_1:
0x0: {  	(tag) =	ssettag $0x1  }
0x1: {  	s0 =	srdreg.scid;
	s1 =	rddreg [dreg:$0x0]  }
0x2: {  	s6 =	stileid.u32;
	s5 =	rddreg [dreg:$0x1]  }
0x3: {  	s2 =	rddreg [dreg:$0x2];
	s4 =	simm.s32 $0x1;
	s28 =	simm.s32 $0xA000  }
0x4: {  	s29 =	simm.s32 $0xC800;
	s30 =	simm.s32 $0x2;
	s0 =	sand.u32 $0x1, s0  }
0x5: {  	s31 =	simm.s32 $0x0;
	s15 =	sadd.s32 $0x20800, s5;
	s3 =	sor.u32 s0, s6  }
0x6: {  	p0 =	seq.s32 s0, $0x1;
	s7 =	ssub.s32 $0x2, s0;
	s11 =	smul.u32 $0x27100, s0  }
0x7: {  	s0 =	smul.u32 $0xA0000, s0;
	p1 =	seq.s32 s3, $0x0;
	s3 =	simm.s32 $0x0  }
0x8: {  	s9 =	sshrl.u32 s7, $0x1;
	p0 =	por !p1, !p0;
	[smem:$0x7FF] =	sst s3  }
0x9: {  	s16 =	ssub.s32 s7, s9;
	s23 =	sshrl.u32 s11, $0x3;
	p0 =	por !p0, !p0  }
0xa: {  	_ =	strace $0x8000004D;
	s9 =	sadd.s32 s2, s23;
	s4 =	simm.s32 @!p0 $0x0  }
0xb: {  	s16 =	smax.u32 s16, $0x1;
	s6 =	ssub.s32 s6, s4;
	s4 =	sadd.s32 $0x16A00, s5  }
0xc: {  	s5 =	simm.s32 $0x1;
	s8 =	sshrl.u32 s6, $0x2;
	s19 =	sshll.u32 s6, $0x8  }
0xd: {  	s6 =	sshll.u32 s6, $0x1;
	s10 =	smul.u32 $0x14000, s8;
	s13 =	sand.u32 $0x300, s19  }
0xe: {  	s8 =	sadd.s32 s4, s23;
	s24 =	sadd.s32 $0x20, s6;
	s6 =	sadd.s32 $0x21, s6  }
0xf: {  	s19 =	simm.s32 $0x2800;
	s23 =	simm.s32 $0x12F00;
	s14 =	sor.u32 $0x80, s13  }
0x10: {  	s18 =	sshrl.u32 s6, $0x3;
	s6 =	sshll.u32 s6, $0x7;
	s20 =	sor.u32 s13, s10  }
0x11: {  	s21 =	sor.u32 s14, s10;
	s17 =	sadd.s32 s0, s10;
	s10 =	sadd.s32 $0x1F40, s11  }
0x12: {  	s18 =	smul.u32 $0x14000, s18;
	s11 =	sadd.s32 $0x3E80, s11;
	s6 =	sand.u32 $0x380, s6  }
0x13: {  	s7 =	sshrl.u32 s20, $0x3;
	s22 =	sshrl.u32 s21, $0x3;
	s12 =	sor.u32 s13, s17  }
0x14: {  	s25 =	sor.u32 s14, s17;
	s17 =	simm.s32 $0x80;
	s7 =	sadd.s32 s1, s7  }
0x15: {  	[dreg:$0x4] =	wrdreg s7;
	s7 =	sadd.s32 s1, s22;
	s1 =	sshrl.u32 s24, $0x3  }
0x16: {  	s20 =	simm.s32 $0x3;
	s12 =	sshrl.u32 s12, $0x3;
	s1 =	smul.u32 $0x14000, s1  }
0x17: {  	s26 =	sshrl.u32 s25, $0x3;
	s25 =	simm.s32 $0x5000;
	s12 =	sadd.s32 s15, s12  }
0x18: {  	s14 =	sadd.s32 s15, s26;
	s1 =	sadd.s32 s0, s1;
	s0 =	sadd.s32 s0, s18  }
0x19: {  	s24 =	simm.s32 $0x14E80;
	s1 =	sor.u32 s13, s1;
	s0 =	sor.u32 s6, s0  }
0x1a: {  	s26 =	simm.s32 $0x7800;
	s1 =	sshrl.u32 s1, $0x3;
	s0 =	sshrl.u32 s0, $0x3  }
0x1b: {  	v0 =	vimm.f32 $0.0e+00;
	s18 =	simm.s32 $0x400;
	s13 =	sadd.s32 s15, s1;
	s15 =	sadd.s32 s15, s0  }
.LBB2_1:
0x1c: {  	s0 =	rddreg [dreg:$0x4]  }
0x1d: {  	[tilespmem:s3], [sflag:$0x3] =	stream.strided.gather [hbm4b:s0+s17], $0x2800, s18, s17, $0x38;
	[tilespmem:$0x16E00] =	vst v63  }
0x1e: {  	s1 =	simm.s32 $0x40;
	s0 =	simm.s32 $0x0  }
0x1f: {  	[tilespmem:s19], [sflag:$0x3] =	stream.strided.gather [hbm4b:s7+s17], $0x2800, s18, s17, $0x38;
	[tilespmem:$0x16E00] =	vst v63  }
.LBB2_2:
0x20: {  	p0 =	sne.s32 s1, $0x9FC0;
	[tilespmem:s0+$0xC800] =	vst v0;
	s6 =	smov.u32 s1;
	s1 =	sadd.s32 $0x40, s1  }
.Ltmp0:
0x21: {  	[tilespmem:s0+$0xA000] =	vst v0;
	(pc) =	sbr.rel @p0 .LBB2_2-.Ltmp0, $3  }
0x22: {  	[tilespmem:s0+$0x5000] =	vst v0  }
0x23: {  	[tilespmem:s0+$0x7800] =	vst v0;
	_ =	sdelay $0x1  }
0x24: {  	s0 =	sshra.s32 s6, $0x2  }
0x25: {  	[tilespmem:s0+$0xC800] =	vst v0  }
0x26: {  	[tilespmem:s0+$0xA000] =	vst v0  }
0x27: {  	[tilespmem:s0+$0x5000] =	vst v0  }
0x28: {  	[tilespmem:s0+$0x7800] =	vst v0  }
0x29: {  	_ =	swait.ge [sflag:s20], $0x2800  }
0x2a: {  	[sflag:s20] =	ssyncset.done $0x0  }
0x2b: {  	[sflag:s20] =	ssyncadd.s32 $0xFFFFD800  }
0x2c: {  	_ =	swait.ge [sflag:s20], $0x2800  }
0x2d: {  	[sflag:s20] =	ssyncset.done $0x0  }
0x2e: {  	s1 =	simm.s32 $0x0;
	s21 =	simm.s32 $0xF000;
	[sflag:s20] =	ssyncadd.s32 $0xFFFFD800  }
0x2f: {  	[tilespmem:s21], [sflag:$0x1] =	stream.linear.gather [hbm4b:s8+s1], $0x1F40, $0x38;
	[tilespmem:$0x16E00] =	vst v63  }
0x30: {  	s22 =	simm.s32 $0x10F80  }
0x31: {  	[tilespmem:s22], [sflag:$0x1] =	stream.linear.gather [hbm4b:s9+s1], $0x1F40, $0x38;
	[tilespmem:$0x16E00] =	vst v63  }
.LBB2_4:
0x32: {  	s0 =	smul.u32 $0x3E80, s1;
	_ =	sdelay $0x1  }
0x33: {  	s6 =	sadd.s32 s0, s10  }
0x34: {  	s6 =	sshrl.u32 s6, $0x3  }
0x35: {  	s21 =	sadd.s32 s4, s6  }
0x36: {  	[tilespmem:s23], [sflag:$0x2] =	stream.linear.gather [hbm4b:s21+s3], $0x1F40, $0x38;
	[tilespmem:$0x16E00] =	vst v63  }
0x37: {  	s6 =	sadd.s32 s2, s6  }
0x38: {  	[tilespmem:s24], [sflag:$0x2] =	stream.linear.gather [hbm4b:s6+s3], $0x1F40, $0x38;
	[tilespmem:$0x16E00] =	vst v63  }
0x39: {  	_ =	swait.ge [sflag:s5], $0x1F40  }
0x3a: {  	[sflag:s5] =	ssyncset.done $0x0  }
0x3b: {  	[sflag:s5] =	ssyncadd.s32 $0xFFFFE0C0  }
0x3c: {  	_ =	swait.ge [sflag:s5], $0x1F40  }
0x3d: {  	[sflag:s5] =	ssyncset.done $0x0  }
0x3e: {  	s22 =	simm.s32 $0xF010;
	[sflag:s5] =	ssyncadd.s32 $0xFFFFE0C0  }
0x3f: {  	v1 =	vld [tilespmem:s22+$0x0];
	_ =	sdelay $0x1  }
0x40: {  	v2 =	vld [tilespmem:s22+$0xFFFFFFF0];
	_ =	sdelay $0x2  }
0x41: {  	v4 =	vand.u32 $0xFFFF, v1;
	_ =	sdelay $0x1  }
0x42: {  	v5 =	vand.u32 $0xFFFF, v2;
	_ =	sdelay $0x2  }
0x43: {  	s21 =	simm.s32 $0x10F90;
	v3 =	vld.idx.msk [tilespmem:v4+s3+$0x0], $0xffff  }
0x44: {  	v8 =	vld [tilespmem:s21+$0x0]  }
0x45: {  	v6 =	vld.idx.msk [tilespmem:v5+s3+$0x0], $0xffff  }
0x46: {  	v13 =	vld [tilespmem:s21+$0xFFFFFFF0];
	v14 =	vshrl.u32 v1, $0x10;
	_ =	sdelay $0x1  }
0x47: {  	s22 =	simm.s32 $0xF030;
	v1 =	vshrl.u32 v2, $0x10;
	v7 =	vshll.u32 v3, $0x10  }
0x48: {  	v11 =	vld [tilespmem:s22+$0x0];
	v2 =	vand.u32 $0xFFFF0000, v3;
	v3 =	vmul.f32 v7, v8  }
0x49: {  	v12 =	vld [tilespmem:s22+$0xFFFFFFF0];
	v2 =	vmul.f32 v2, v8;
	v7 =	vshll.u32 v6, $0x10  }
0x4a: {  	v7 =	vmul.f32 v7, v13;
	[tilespmem:v14+s25+$0x0] =	vst.idx.add.f32.msk $0xffff, v3  }
0x4b: {  	v6 =	vand.u32 $0xFFFF0000, v6;
	[tilespmem:v14+s26+$0x0] =	vst.idx.add.f32.msk $0xffff, v2  }
0x4c: {  	v6 =	vmul.f32 v6, v13;
	[tilespmem:v1+s25+$0x0] =	vst.idx.add.f32.msk $0xffff, v7  }
0x4d: {  	v4 =	vld.idx.msk [tilespmem:v4+s19+$0x0], $0xffff  }
0x4e: {  	v3 =	vand.u32 $0xFFFF, v11;
	[tilespmem:v1+s26+$0x0] =	vst.idx.add.f32.msk $0xffff, v6  }
0x4f: {  	v2 =	vand.u32 $0xFFFF, v12;
	v5 =	vld.idx.msk [tilespmem:v5+s19+$0x0], $0xffff;
	_ =	sdelay $0x1  }
0x50: {  	s21 =	simm.s32 $0x10FB0  }
0x51: {  	v7 =	vld [tilespmem:s21+$0x0];
	v6 =	vshll.u32 v4, $0x10  }
0x52: {  	v10 =	vld.idx.msk [tilespmem:v3+s3+$0x0], $0xffff;
	v4 =	vand.u32 $0xFFFF0000, v4;
	v15 =	vmul.f32 v6, v8  }
0x53: {  	v9 =	vld.idx.msk [tilespmem:v2+s3+$0x0], $0xffff;
	v16 =	vmul.f32 v4, v8;
	v8 =	vshll.u32 v5, $0x10;
	v5 =	vand.u32 $0xFFFF0000, v5  }
0x54: {  	v6 =	vld [tilespmem:s21+$0xFFFFFFF0]  }
0x55: {  	v11 =	vshrl.u32 v11, $0x10;
	v4 =	vshrl.u32 v12, $0x10;
	[tilespmem:v14+s28+$0x0] =	vst.idx.add.f32.msk $0xffff, v15  }
0x56: {  	s6 =	simm.s32 $0xF050;
	s22 =	simm.s32 $0x2;
	v12 =	vmul.f32 v8, v13;
	v8 =	vmul.f32 v5, v13;
	[tilespmem:v14+s29+$0x0] =	vst.idx.add.f32.msk $0xffff, v16;
	v5 =	vmov v11  }
.LBB2_5:
0x57: {  	v13 =	vld [tilespmem:s6+$0x0];
	v14 =	vshll.u32 v10, $0x10  }
0x58: {  	v16 =	vshll.u32 v9, $0x10;
	v10 =	vand.u32 $0xFFFF0000, v10;
	v15 =	vld [tilespmem:s6+$0xFFFFFFF0];
	v18 =	vmul.f32 v14, v7;
	v17 =	vmovc v7  }
0x59: {  	s22 =	sadd.s32 $0x2, s22;
	v7 =	vand.u32 $0xFFFF0000, v9;
	v9 =	vmul.f32 v16, v6;
	v10 =	vmul.f32 v10, v17;
	[tilespmem:v1+s28+$0x0] =	vst.idx.add.f32.msk $0xffff, v12  }
0x5a: {  	p0 =	slt.u32 s22, $0x1F2;
	v7 =	vmul.f32 v7, v6;
	[tilespmem:v11+s25+$0x0] =	vst.idx.add.f32.msk $0xffff, v18;
	v14 =	vmov v6  }
0x5b: {  	[tilespmem:v5+s26+$0x0] =	vst.idx.add.f32.msk $0xffff, v10  }
0x5c: {  	v6 =	vld.idx.msk [tilespmem:v3+s19+$0x0], $0xffff;
	v3 =	vand.u32 $0xFFFF, v13  }
0x5d: {  	v10 =	vshrl.u32 v15, $0x10;
	v11 =	vand.u32 $0xFFFF, v15;
	[tilespmem:v4+s25+$0x0] =	vst.idx.add.f32.msk $0xffff, v9  }
0x5e: {  	[tilespmem:v4+s26+$0x0] =	vst.idx.add.f32.msk $0xffff, v7  }
0x5f: {  	v12 =	vld.idx.msk [tilespmem:v2+s19+$0x0], $0xffff;
	v2 =	vmov v11  }
0x60: {  	[tilespmem:v1+s29+$0x0] =	vst.idx.add.f32.msk $0xffff, v8;
	v1 =	vmov v4;
	v4 =	vmov v10  }
0x61: {  	v10 =	vld.idx.msk [tilespmem:v3+s3+$0x0], $0xffff  }
.Ltmp1:
0x62: {  	s21 =	sadd.s32 $0x20, s21;
	v8 =	vshll.u32 v6, $0x10;
	v9 =	vld.idx.msk [tilespmem:v11+s3+$0x0], $0xffff;
	(pc) =	sbr.rel @p0 .LBB2_5-.Ltmp1, $4  }
0x63: {  	v11 =	vand.u32 $0xFFFF0000, v6;
	v8 =	vmul.f32 v8, v17;
	v7 =	vld [tilespmem:s21+$0x0]  }
0x64: {  	v15 =	vmul.f32 v11, v17;
	v6 =	vld [tilespmem:s21+$0xFFFFFFF0]  }
0x65: {  	v11 =	vshrl.u32 v13, $0x10;
	v13 =	vshll.u32 v12, $0x10;
	v16 =	vand.u32 $0xFFFF0000, v12;
	[tilespmem:v5+s28+$0x0] =	vst.idx.add.f32.msk $0xffff, v8  }
0x66: {  	s6 =	sadd.s32 $0x20, s6;
	v12 =	vmul.f32 v13, v14;
	v8 =	vmul.f32 v16, v14;
	[tilespmem:v5+s29+$0x0] =	vst.idx.add.f32.msk $0xffff, v15;
	v5 =	vmov v11  }
0x67: {  	_ = 	snop  }
0x68: {  	v13 =	vshll.u32 v10, $0x10  }
0x69: {  	v10 =	vand.u32 $0xFFFF0000, v10;
	v13 =	vmul.f32 v13, v7  }
0x6a: {  	v10 =	vmul.f32 v10, v7  }
0x6b: {  	v14 =	vshll.u32 v9, $0x10;
	[tilespmem:v11+s25+$0x0] =	vst.idx.add.f32.msk $0xffff, v13  }
0x6c: {  	v9 =	vand.u32 $0xFFFF0000, v9;
	v11 =	vmul.f32 v14, v6;
	[tilespmem:v5+s26+$0x0] =	vst.idx.add.f32.msk $0xffff, v10  }
0x6d: {  	v9 =	vmul.f32 v9, v6;
	v3 =	vld.idx.msk [tilespmem:v3+s19+$0x0], $0xffff  }
0x6e: {  	[tilespmem:v4+s25+$0x0] =	vst.idx.add.f32.msk $0xffff, v11  }
0x6f: {  	[tilespmem:v4+s26+$0x0] =	vst.idx.add.f32.msk $0xffff, v9  }
0x70: {  	v2 =	vld.idx.msk [tilespmem:v2+s19+$0x0], $0xffff;
	_ =	sdelay $0x2  }
0x71: {  	v9 =	vshll.u32 v3, $0x10  }
0x72: {  	[tilespmem:v1+s28+$0x0] =	vst.idx.add.f32.msk $0xffff, v12;
	v3 =	vand.u32 $0xFFFF0000, v3;
	v9 =	vmul.f32 v9, v7  }
0x73: {  	[tilespmem:v1+s29+$0x0] =	vst.idx.add.f32.msk $0xffff, v8;
	v1 =	vmul.f32 v3, v7;
	v3 =	vshll.u32 v2, $0x10  }
0x74: {  	p0 =	seq.s32 s1, $0x9;
	v2 =	vand.u32 $0xFFFF0000, v2;
	[tilespmem:v5+s28+$0x0] =	vst.idx.add.f32.msk $0xffff, v9;
	v3 =	vmul.f32 v3, v6  }
0x75: {  	s0 =	sadd.s32 @!p0 s0, s11;
	v2 =	vmul.f32 v2, v6;
	[tilespmem:v5+s29+$0x0] =	vst.idx.add.f32.msk $0xffff, v1  }
0x76: {  	s0 =	sshrl.u32 @!p0 s0, $0x3;
	[tilespmem:v4+s28+$0x0] =	vst.idx.add.f32.msk $0xffff, v3  }
0x77: {  	s21 =	simm.s32 @!p0 $0x0;
	s22 =	simm.s32 @!p0 $0xF000;
	s6 =	sadd.s32 @!p0 s4, s0;
	[tilespmem:v4+s29+$0x0] =	vst.idx.add.f32.msk $0xffff, v2  }
0x78: {  	[tilespmem:s22], [sflag:$0x1] =	stream.linear.gather @!p0 [hbm4b:s6+s21], $0x1F40, $0x38;
	[tilespmem:$0x16E00] =	vst v63  }
0x79: {  	s0 =	sadd.s32 @!p0 s2, s0;
	s6 =	simm.s32 @!p0 $0x10F80  }
0x7a: {  	[tilespmem:s6], [sflag:$0x1] =	stream.linear.gather @!p0 [hbm4b:s0+s21], $0x1F40, $0x38;
	[tilespmem:$0x16E00] =	vst v63  }
0x7b: {  	_ =	swait.ge [sflag:s30], $0x1F40  }
0x7c: {  	[sflag:s30] =	ssyncset.done $0x0  }
0x7d: {  	[sflag:s30] =	ssyncadd.s32 $0xFFFFE0C0  }
0x7e: {  	_ =	swait.ge [sflag:s30], $0x1F40  }
0x7f: {  	[sflag:s30] =	ssyncset.done $0x0  }
0x80: {  	s6 =	simm.s32 $0x12F10;
	[sflag:s30] =	ssyncadd.s32 $0xFFFFE0C0  }
0x81: {  	v1 =	vld [tilespmem:s6+$0x0];
	_ =	sdelay $0x1  }
0x82: {  	v2 =	vld [tilespmem:s6+$0xFFFFFFF0];
	_ =	sdelay $0x2  }
0x83: {  	v4 =	vand.u32 $0xFFFF, v1;
	_ =	sdelay $0x1  }
0x84: {  	v5 =	vand.u32 $0xFFFF, v2;
	_ =	sdelay $0x2  }
0x85: {  	s21 =	simm.s32 $0x14E90;
	v3 =	vld.idx.msk [tilespmem:v4+s3+$0x0], $0xffff  }
0x86: {  	v8 =	vld [tilespmem:s21+$0x0]  }
0x87: {  	v6 =	vld.idx.msk [tilespmem:v5+s3+$0x0], $0xffff  }
0x88: {  	v13 =	vld [tilespmem:s21+$0xFFFFFFF0];
	v14 =	vshrl.u32 v1, $0x10;
	_ =	sdelay $0x1  }
0x89: {  	s22 =	simm.s32 $0x12F30;
	v1 =	vshrl.u32 v2, $0x10;
	v7 =	vshll.u32 v3, $0x10  }
0x8a: {  	v11 =	vld [tilespmem:s22+$0x0];
	v2 =	vand.u32 $0xFFFF0000, v3;
	v3 =	vmul.f32 v7, v8  }
0x8b: {  	v12 =	vld [tilespmem:s22+$0xFFFFFFF0];
	v2 =	vmul.f32 v2, v8;
	v7 =	vshll.u32 v6, $0x10  }
0x8c: {  	v7 =	vmul.f32 v7, v13;
	[tilespmem:v14+s25+$0x0] =	vst.idx.add.f32.msk $0xffff, v3  }
0x8d: {  	v6 =	vand.u32 $0xFFFF0000, v6;
	[tilespmem:v14+s26+$0x0] =	vst.idx.add.f32.msk $0xffff, v2  }
0x8e: {  	v6 =	vmul.f32 v6, v13;
	[tilespmem:v1+s25+$0x0] =	vst.idx.add.f32.msk $0xffff, v7  }
0x8f: {  	v4 =	vld.idx.msk [tilespmem:v4+s19+$0x0], $0xffff  }
0x90: {  	v3 =	vand.u32 $0xFFFF, v11;
	[tilespmem:v1+s26+$0x0] =	vst.idx.add.f32.msk $0xffff, v6  }
0x91: {  	v2 =	vand.u32 $0xFFFF, v12;
	v5 =	vld.idx.msk [tilespmem:v5+s19+$0x0], $0xffff;
	_ =	sdelay $0x1  }
0x92: {  	s0 =	simm.s32 $0x14EB0  }
0x93: {  	v7 =	vld [tilespmem:s0+$0x0];
	v6 =	vshll.u32 v4, $0x10  }
0x94: {  	v10 =	vld.idx.msk [tilespmem:v3+s3+$0x0], $0xffff;
	v4 =	vand.u32 $0xFFFF0000, v4;
	v15 =	vmul.f32 v6, v8  }
0x95: {  	v9 =	vld.idx.msk [tilespmem:v2+s3+$0x0], $0xffff;
	v16 =	vmul.f32 v4, v8;
	v8 =	vshll.u32 v5, $0x10;
	v5 =	vand.u32 $0xFFFF0000, v5  }
0x96: {  	v6 =	vld [tilespmem:s0+$0xFFFFFFF0]  }
0x97: {  	v11 =	vshrl.u32 v11, $0x10;
	v4 =	vshrl.u32 v12, $0x10;
	[tilespmem:v14+s28+$0x0] =	vst.idx.add.f32.msk $0xffff, v15  }
0x98: {  	s21 =	simm.s32 $0x2;
	s6 =	simm.s32 $0x12F50;
	v12 =	vmul.f32 v8, v13;
	v8 =	vmul.f32 v5, v13;
	[tilespmem:v14+s29+$0x0] =	vst.idx.add.f32.msk $0xffff, v16;
	v5 =	vmov v11  }
.LBB2_7:
0x99: {  	v13 =	vld [tilespmem:s6+$0x0];
	v14 =	vshll.u32 v10, $0x10  }
0x9a: {  	v16 =	vshll.u32 v9, $0x10;
	v10 =	vand.u32 $0xFFFF0000, v10;
	v15 =	vld [tilespmem:s6+$0xFFFFFFF0];
	v18 =	vmul.f32 v14, v7;
	v17 =	vmovc v7  }
0x9b: {  	s21 =	sadd.s32 $0x2, s21;
	v7 =	vand.u32 $0xFFFF0000, v9;
	v9 =	vmul.f32 v16, v6;
	v10 =	vmul.f32 v10, v17;
	[tilespmem:v1+s28+$0x0] =	vst.idx.add.f32.msk $0xffff, v12  }
0x9c: {  	p0 =	slt.u32 s21, $0x1F2;
	v7 =	vmul.f32 v7, v6;
	[tilespmem:v11+s25+$0x0] =	vst.idx.add.f32.msk $0xffff, v18;
	v14 =	vmov v6  }
0x9d: {  	[tilespmem:v5+s26+$0x0] =	vst.idx.add.f32.msk $0xffff, v10  }
0x9e: {  	v6 =	vld.idx.msk [tilespmem:v3+s19+$0x0], $0xffff;
	v3 =	vand.u32 $0xFFFF, v13  }
0x9f: {  	v10 =	vshrl.u32 v15, $0x10;
	v11 =	vand.u32 $0xFFFF, v15;
	[tilespmem:v4+s25+$0x0] =	vst.idx.add.f32.msk $0xffff, v9  }
0xa0: {  	[tilespmem:v4+s26+$0x0] =	vst.idx.add.f32.msk $0xffff, v7  }
0xa1: {  	v12 =	vld.idx.msk [tilespmem:v2+s19+$0x0], $0xffff;
	v2 =	vmov v11  }
0xa2: {  	[tilespmem:v1+s29+$0x0] =	vst.idx.add.f32.msk $0xffff, v8;
	v1 =	vmov v4;
	v4 =	vmov v10  }
0xa3: {  	v10 =	vld.idx.msk [tilespmem:v3+s3+$0x0], $0xffff  }
.Ltmp2:
0xa4: {  	s0 =	sadd.s32 $0x20, s0;
	v8 =	vshll.u32 v6, $0x10;
	v9 =	vld.idx.msk [tilespmem:v11+s3+$0x0], $0xffff;
	(pc) =	sbr.rel @p0 .LBB2_7-.Ltmp2, $4  }
0xa5: {  	v11 =	vand.u32 $0xFFFF0000, v6;
	v8 =	vmul.f32 v8, v17;
	v7 =	vld [tilespmem:s0+$0x0]  }
0xa6: {  	v15 =	vmul.f32 v11, v17;
	v6 =	vld [tilespmem:s0+$0xFFFFFFF0]  }
0xa7: {  	v11 =	vshrl.u32 v13, $0x10;
	v13 =	vshll.u32 v12, $0x10;
	v16 =	vand.u32 $0xFFFF0000, v12;
	[tilespmem:v5+s28+$0x0] =	vst.idx.add.f32.msk $0xffff, v8  }
0xa8: {  	s6 =	sadd.s32 $0x20, s6;
	v12 =	vmul.f32 v13, v14;
	v8 =	vmul.f32 v16, v14;
	[tilespmem:v5+s29+$0x0] =	vst.idx.add.f32.msk $0xffff, v15;
	v5 =	vmov v11  }
0xa9: {  	_ = 	snop  }
0xaa: {  	v13 =	vshll.u32 v10, $0x10  }
0xab: {  	v60 =	vand.u32 $0xFFFF0000, v10;
	v13 =	vmul.f32 v13, v7  }
0xac: {  	v14 =	vshll.u32 v9, $0x10;
	v10 =	vmul.f32 v60, v7  }
0xad: {  	v62 =	vmul.f32 v14, v6;
	[tilespmem:v11+s25+$0x0] =	vst.idx.add.f32.msk $0xffff, v13  }
0xae: {  	v61 =	vand.u32 $0xFFFF0000, v9;
	[tilespmem:v5+s26+$0x0] =	vst.idx.add.f32.msk $0xffff, v10  }
0xaf: {  	v9 =	vmul.f32 v61, v6;
	[tilespmem:v4+s25+$0x0] =	vst.idx.add.f32.msk $0xffff, v62  }
0xb0: {  	v3 =	vld.idx.msk [tilespmem:v3+s19+$0x0], $0xffff  }
0xb1: {  	[tilespmem:v4+s26+$0x0] =	vst.idx.add.f32.msk $0xffff, v9  }
0xb2: {  	v2 =	vld.idx.msk [tilespmem:v2+s19+$0x0], $0xffff;
	_ =	sdelay $0x2  }
0xb3: {  	s1 =	sadd.s32 $0x1, s1;
	v63 =	vshll.u32 v3, $0x10  }
0xb4: {  	[tilespmem:v1+s28+$0x0] =	vst.idx.add.f32.msk $0xffff, v12;
	p0 =	sne.s32 s1, $0xA;
	v3 =	vand.u32 $0xFFFF0000, v3;
	v9 =	vmul.f32 v63, v7  }
.Ltmp3:
0xb5: {  	[tilespmem:v1+s29+$0x0] =	vst.idx.add.f32.msk $0xffff, v8;
	v1 =	vmul.f32 v3, v7;
	v3 =	vshll.u32 v2, $0x10;
	(pc) =	sbr.rel @p0 .LBB2_4-.Ltmp3, $4  }
0xb6: {  	v2 =	vand.u32 $0xFFFF0000, v2;
	v3 =	vmul.f32 v3, v6;
	[tilespmem:v5+s28+$0x0] =	vst.idx.add.f32.msk $0xffff, v9  }
0xb7: {  	v2 =	vmul.f32 v2, v6;
	[tilespmem:v5+s29+$0x0] =	vst.idx.add.f32.msk $0xffff, v1  }
0xb8: {  	[tilespmem:v4+s28+$0x0] =	vst.idx.add.f32.msk $0xffff, v3  }
0xb9: {  	[tilespmem:v4+s29+$0x0] =	vst.idx.add.f32.msk $0xffff, v2  }
0xba: {  	[hbm4b:s12+s17] =	stream.strided.scatter [tilespmem:s25], [sflag:$0x3], $0x2800, s18, s17, $0x38;
	[tilespmem:$0x16E00] =	vst v63  }
0xbb: {  	_ = 	snop  }
0xbc: {  	[hbm4b:s13+s17] =	stream.strided.scatter [tilespmem:s26], [sflag:$0x3], $0x2800, s18, s17, $0x38;
	[tilespmem:$0x16E00] =	vst v63  }
0xbd: {  	_ = 	snop  }
0xbe: {  	[hbm4b:s14+s17] =	stream.strided.scatter [tilespmem:s28], [sflag:$0x3], $0x2800, s18, s17, $0x38;
	[tilespmem:$0x16E00] =	vst v63  }
0xbf: {  	_ = 	snop  }
0xc0: {  	[hbm4b:s15+s17] =	stream.strided.scatter [tilespmem:s29], [sflag:$0x3], $0x2800, s18, s17, $0x38;
	[tilespmem:$0x16E00] =	vst v63  }
0xc1: {  	_ =	swait.ge [sflag:s20], $0x2800  }
0xc2: {  	[sflag:s20] =	ssyncset.done $0x0  }
0xc3: {  	[sflag:s20] =	ssyncadd.s32 $0xFFFFD800  }
0xc4: {  	_ =	swait.ge [sflag:s20], $0x2800  }
0xc5: {  	[sflag:s20] =	ssyncset.done $0x0  }
0xc6: {  	s31 =	sadd.s32 $0x1, s31;
	[sflag:s20] =	ssyncadd.s32 $0xFFFFD800  }
0xc7: {  	p0 =	sne.s32 s31, s16;
	_ =	swait.ge [sflag:s20], $0x2800  }
.Ltmp4:
0xc8: {  	[sflag:s20] =	ssyncset.done $0x0;
	(pc) =	sbr.rel @p0 .LBB2_1-.Ltmp4, $4  }
0xc9: {  	[sflag:s20] =	ssyncadd.s32 $0xFFFFD800  }
0xca: {  	_ =	swait.ge [sflag:s20], $0x2800  }
0xcb: {  	[sflag:s20] =	ssyncset.done $0x0  }
0xcc: {  	[sflag:s20] =	ssyncadd.s32 $0xFFFFD800  }
0xcd: {  	_ =	sfence.sel $0x180000  }
0xce: {  	[bflag:$0x0] =	sbarrier.arrive $0xFFFF  }
0xcf: {  	_ =	strace $0x9000004D  }
0xd0: {  	s0 =	stileid.u32;
	[bflag:$0x2] =	sbarrier.arrive $0xFFFF  }
0xd1: {  	p0 =	sne.s32 s0, $0x0;
	s0 =	rddreg [dreg:$0x3]  }
0xd2: {  	s0 =	sadd.s32 @!p0 $0x100000, s0  }
0xd3: {  	[sflag:s0] =	ssyncadd.tile.s32 @!p0 $0x1;
	_ =	shalt  }
.Lfunc_end2:
_tile_overlayer_lowered:
.L_overlay_start_2:
0xd4: {  	(tag) =	ssettag $0x2  }
0xd5: {  	s0 =	rddreg [dreg:$0x0];
	s2 =	stileid.u32  }
0xd6: {  	s1 =	rddreg [dreg:$0x1];
	p0 =	sne.s32 s2, $0x0  }
0xd7: {  	s3 =	rddreg [dreg:$0x2];
	[bflag:$0x3] =	sbarrier.arrive $0xFFFF;
	s2 =	simm.s32 @!p0 $0x1C04  }
0xd8: {  	[timem:s3], [sflag:s2] =	dma.local @!p0 [hbm:s0], s1  }
0xd9: {  	s0 =	simm.s32 @!p0 $0x4  }
0xda: {  	_ =	swait.ge @!p0 [sflag:s0], s1  }
0xdb: {  	s1 =	ssub.s32 @!p0 $0x0, s1;
	[sflag:s0] =	ssyncset.done @!p0 $0x0  }
0xdc: {  	[sflag:s0] =	ssyncadd.s32 @!p0 s1  }
0xdd: {  	[bflag:$0x3] =	sbarrier.arrive $0xFFFF  }
0xde: {  	_ =	shalt  }

// kernel: kernel.8.cloned.1.call-start
scs
__scs_entry_jumppad:
0x0: {  	(pc) =	sbr.rel $0x88, $3  }
0x1: {  	(tag) =	ssettag $0x0;
	lr =	simm.s32 $0x1  }
0x2: {  	[smem:$0x3F98] =	sst lr;
	_ =	strace $0xD0000000  }
0x3: {  	_ = 	snop  }
0x4: {  	_ = 	snop  }
0x5: {  	_ = 	snop  }
0x6: {  	_ = 	snop  }
0x7: {  	_ = 	snop  }
__scs_overlays_trampoline_lowered:
0x8: {  	[smem:$0x3FA7] =	sst s0  }
0x9: {  	[smem:$0x3FA8] =	sst s1  }
0xa: {  	[smem:$0x3FA9] =	sst s2  }
0xb: {  	[smem:$0x3FAA] =	sst s3  }
0xc: {  	[smem:$0x3FAB] =	sst s4  }
0xd: {  	[smem:$0x3FAC] =	sst s5  }
0xe: {  	[smem:$0x3FAD] =	sst s6  }
0xf: {  	[smem:$0x3FAE] =	sst s7  }
0x10: {  	[smem:$0x3FAF] =	sst s8  }
0x11: {  	[smem:$0x3FB0] =	sst s9;
	s0 =	simm.s32 @!p0 $0x0  }
0x12: {  	s1 =	sld [smem:$0x3F96];
	s0 =	simm.s32 @p0 $0x1  }
0x13: {  	[smem:$0x3FB1] =	sst s0;
	s0 =	simm.s32 @!p1 $0x0  }
0x14: {  	s2 =	sld [smem:$0x3F95];
	s0 =	simm.s32 @p1 $0x1  }
0x15: {  	[smem:$0x3FB2] =	sst s0;
	s0 =	simm.s32 @!p2 $0x0  }
0x16: {  	s3 =	sld [smem:$0x3FDB];
	s0 =	simm.s32 @p2 $0x1  }
0x17: {  	s4 =	simm.s32 $0x1BF5;
	[smem:$0x3FB4] =	sst s0  }
0x18: {  	s0 =	sld [smem:$0x3F97];
	_ =	swait.ge [sflag:s4], $0x0  }
0x19: {  	s7 =	sld [smem:$0x3F98]  }
0x1a: {  	s8 =	sadd.s32 $0xFFFFE003, lr  }
0x1b: {  	s9 =	sadd.s32 $0xFFFFFEF7, lr;
	s5 =	simm.s32 $0xFFFFFFFF;
	p2 =	slt.u32 s8, $0xFFFFF086  }
0x1c: {  	p1 =	slt.u32 s9, $0xF7A;
	s5 =	simm.s32 @!p2 $0x0  }
0x1d: {  	s5 =	simm.s32 @p1 $0x1;
	p0 =	seq.s32 s7, s2  }
0x1e: {  	s7 =	smul.u32 @!p0 $0xF7A, s2;
	p2 =	seq.s32 @!p0 s5, $0x0  }
0x1f: {  	s9 =	smul.u32 $0xF7A, s1;
	s8 =	simm.s32 @!p0 $0x1BF5;
	p2 =	por !p2, p0  }
0x20: {  	[sflag:s8] =	ssyncset.s32 @!p0 $0xFFFFF086;
	s6 =	sadd.s32 @!p0 s3, s7;
	s7 =	simm.s32 @!p0 $0x108  }
0x21: {  	s3 =	sadd.s32 s3, s9;
	s6 =	sadd.s32 @!p0 $0x88, s6;
	s7 =	simm.s32 @p2 $0x1082  }
0x22: {  	[simem:s7], [sflag:s8] =	dma.local @!p0 [hbm:s6], $0xF7A  }
0x23: {  	s9 =	sor.u32 $0xD0000000, s2;
	s6 =	simm.s32 $0x108;
	_ =	swait.ge @!p0 [sflag:s8], $0x0  }
0x24: {  	s3 =	sadd.s32 $0x88, s3;
	s6 =	simm.s32 @!p1 $0x1082;
	[sflag:s4] =	ssyncset.s32 $0xFFFFF086  }
0x25: {  	[simem:s6], [sflag:s4] =	dma.local [hbm:s3], $0xF7A  }
0x26: {  	[smem:$0x3F98] =	sst s1;
	(tag) =	ssettag s2;
	_ =	strace s9  }
0x27: {  	s1 =	sld [smem:$0x3FA8]  }
0x28: {  	s2 =	sld [smem:$0x3FA9]  }
0x29: {  	s4 =	sld [smem:$0x3FAB]  }
0x2a: {  	p0 =	seq.s32 s5, $0x0;
	s5 =	sld [smem:$0x3FAC]  }
0x2b: {  	s6 =	sld [smem:$0x3FAD]  }
0x2c: {  	s7 =	sld [smem:$0x3FAE]  }
0x2d: {  	s3 =	simm.s32 $0x108;
	s8 =	sld [smem:$0x3FAF]  }
0x2e: {  	s3 =	simm.s32 @!p0 $0x1082;
	s9 =	sld [smem:$0x3FB0]  }
0x2f: {  	lr =	sadd.s32 s0, s3;
	s0 =	sld [smem:$0x3FA7]  }
0x30: {  	s3 =	sld [smem:$0x3FAA]  }
0x31: {  	[smem:$0x3FB3] =	sst s10  }
0x32: {  	s10 =	sld [smem:$0x3FB1];
	_ =	sdelay $0x3  }
0x33: {  	p0 =	seq.s32 s10, $0x1;
	s10 =	sld [smem:$0x3FB3];
	_ =	sdelay $0x3  }
0x34: {  	[smem:$0x3FB3] =	sst s10  }
0x35: {  	s10 =	sld [smem:$0x3FB2];
	_ =	sdelay $0x3  }
0x36: {  	p1 =	seq.s32 s10, $0x1;
	s10 =	sld [smem:$0x3FB3];
	_ =	sdelay $0x3  }
0x37: {  	[smem:$0x3FB3] =	sst s10  }
0x38: {  	s10 =	sld [smem:$0x3FB4]  }
0x39: {  	_ = 	snop;
	(pc) =	sbr.ind lr, $3  }
0x3a: {  	_ = 	snop  }
0x3b: {  	_ = 	snop  }
0x3c: {  	p2 =	seq.s32 s10, $0x1;
	s10 =	sld [smem:$0x3FB3]  }
0x3d: {  	_ =	shalt  }
0x3e: {  	_ =	shalt  }
0x3f: {  	_ =	shalt  }
0x40: {  	_ =	shalt  }
0x41: {  	_ =	shalt  }
0x42: {  	_ =	shalt  }
0x43: {  	_ =	shalt  }
0x44: {  	_ =	shalt  }
0x45: {  	_ =	shalt  }
0x46: {  	_ =	shalt  }
0x47: {  	_ =	shalt  }
0x48: {  	_ =	shalt  }
0x49: {  	_ =	shalt  }
0x4a: {  	_ =	shalt  }
0x4b: {  	_ =	shalt  }
0x4c: {  	_ =	shalt  }
0x4d: {  	_ =	shalt  }
0x4e: {  	_ =	shalt  }
0x4f: {  	_ =	shalt  }
0x50: {  	_ =	shalt  }
0x51: {  	_ =	shalt  }
0x52: {  	_ =	shalt  }
0x53: {  	_ =	shalt  }
0x54: {  	_ =	shalt  }
0x55: {  	_ =	shalt  }
0x56: {  	_ =	shalt  }
0x57: {  	_ =	shalt  }
0x58: {  	_ =	shalt  }
0x59: {  	_ =	shalt  }
0x5a: {  	_ =	shalt  }
0x5b: {  	_ =	shalt  }
0x5c: {  	_ =	shalt  }
0x5d: {  	_ =	shalt  }
0x5e: {  	_ =	shalt  }
0x5f: {  	_ =	shalt  }
0x60: {  	_ =	shalt  }
0x61: {  	_ =	shalt  }
0x62: {  	_ =	shalt  }
0x63: {  	_ =	shalt  }
0x64: {  	_ =	shalt  }
0x65: {  	_ =	shalt  }
0x66: {  	_ =	shalt  }
0x67: {  	_ =	shalt  }
0x68: {  	_ =	shalt  }
0x69: {  	_ =	shalt  }
0x6a: {  	_ =	shalt  }
0x6b: {  	_ =	shalt  }
0x6c: {  	_ =	shalt  }
0x6d: {  	_ =	shalt  }
0x6e: {  	_ =	shalt  }
0x6f: {  	_ =	shalt  }
0x70: {  	_ =	shalt  }
0x71: {  	_ =	shalt  }
0x72: {  	_ =	shalt  }
0x73: {  	_ =	shalt  }
0x74: {  	_ =	shalt  }
0x75: {  	_ =	shalt  }
0x76: {  	_ =	shalt  }
0x77: {  	_ =	shalt  }
0x78: {  	_ =	shalt  }
0x79: {  	_ =	shalt  }
0x7a: {  	_ =	shalt  }
0x7b: {  	_ =	shalt  }
0x7c: {  	_ =	shalt  }
0x7d: {  	_ =	shalt  }
0x7e: {  	_ =	shalt  }
0x7f: {  	_ =	shalt  }
0x80: {  	_ =	shalt  }
0x81: {  	_ =	shalt  }
0x82: {  	_ =	shalt  }
0x83: {  	_ =	shalt  }
0x84: {  	_ =	shalt  }
0x85: {  	_ =	shalt  }
0x86: {  	_ =	shalt  }
0x87: {  	_ =	shalt  }
.Lfunc_end0:
.L_simem_size_0:
called_computation_lowered:
.L_overlay_start_0:
0x88: {  	s2 =	sld [smem:$0x3FD9]  }
0x89: {  	s3 =	sld [smem:$0x3FFE];
	_ =	sdelay $0x1  }
0x8a: {  	s1 =	srdreg.scid  }
0x8b: {  	s0 =	sand.u32 $0x1, s1  }
0x8c: {  	s17 =	sshll.u32 s0, $0xA;
	s2 =	sadd.s32 s3, s2  }
0x8d: {  	s2 =	sadd.s32 s2, s17  }
0x8e: {  	[smem:$0x3FBF] =	sst s2  }
0x8f: {  	_ = 	snop  }
0x90: {  	s2 =	sld [smem:$0x3FC7]  }
0x91: {  	s18 =	sld [smem:$0x3FD0];
	(tm) =	ssettm $0x1  }
0x92: {  	s4 =	sld [smem:$0x3FFB];
	_ =	sdelay $0x3  }
0x93: {  	_ =	strace s4  }
0x94: {  	s4 =	sld [smem:$0x3FFC];
	_ =	sdelay $0x3  }
0x95: {  	_ =	strace s4  }
0x96: {  	s4 =	sld [smem:$0x3FFD];
	_ =	sdelay $0x3  }
0x97: {  	_ =	strace s4  }
0x98: {  	_ =	strace $0x8FFFFFFF  }
0x99: {  	s19 =	sld [smem:$0x3FDB];
	_ =	sdelay $0x1  }
0x9a: {  	s5 =	simm.s32 $_scs_section_size  }
0x9b: {  	s6 =	simm.s32 $_size__tile_overlayer_lowered;
	s7 =	simm.s32 $_tile_overlayer_lowered  }
0x9c: {  	s22 =	simm.s32 $0x1BFF;
	s21 =	sshll.u32 s7, $0x1;
	s4 =	sadd.s32 s5, s19  }
0x9d: {  	s8 =	simm.s32 $0x0;
	s20 =	sshll.u32 s6, $0x1;
	s6 =	sadd.s32 s21, s4  }
0x9e: {  	[timem:s8], [sflag:s22] =	dma.local [hbm:s6], s20  }
0x9f: {  	_ =	swait.ge [sflag:s22], s20  }
0xa0: {  	s5 =	ssub.s32 $0x0, s20;
	[sflag:s22] =	ssyncset.done $0x0  }
0xa1: {  	[sflag:s22] =	ssyncadd.s32 s5;
	_ =	sdelay $0x1  }
0xa2: {  	s23 =	simm.s32 $0x1B8B  }
0xa3: {  	_ =	swait.ge [sflag:s23], $0x1  }
0xa4: {  	[sflag:s23] =	ssyncset.done $0x0  }
0xa5: {  	s25 =	simm.s32 $0x1B8E;
	s24 =	sld [smem:$0x3FFE];
	[sflag:s23] =	ssyncadd.s32 $0xFFFFFFFF  }
0xa6: {  	s26 =	simm.s32 $execute0_lowered;
	[smem:$0x3FD2] =	sst s25  }
0xa7: {  	s6 =	sshll.u32 s26, $0x1;
	_ =	strace $0x80000046;
	[dreg:$0x1] =	wrdreg $0xFFFFFFFF  }
0xa8: {  	s28 =	simm.s32 $_size_execute0_lowered;
	s4 =	sadd.s32 s4, s6;
	[dreg:$0x0] =	wrdreg $0x0  }
0xa9: {  	s6 =	sshll.u32 s28, $0x1;
	[dreg:$0x2] =	wrdreg s4  }
0xaa: {  	[dreg:$0x3] =	wrdreg s6  }
0xab: {  	[dreg:$0x4] =	wrdreg $0xC0  }
0xac: {  	_ =	task [dreg:s8], $0x5FFFF  }
0xad: {  	[dreg:$0x1] =	wrdreg $0xFFFFFFFF  }
0xae: {  	[dreg:$0x0] =	wrdreg $0x60  }
0xaf: {  	[dreg:$0x2] =	wrdreg s24  }
0xb0: {  	[dreg:$0x3] =	wrdreg s2  }
0xb1: {  	[dreg:$0x4] =	wrdreg s18  }
0xb2: {  	[dreg:$0x5] =	wrdreg $0x9  }
0xb3: {  	_ =	task.clear_ibuf [dreg:s8], $0x6FFFF;
	_ =	strace $0x90000046  }
0xb4: {  	s29 =	simm.s32 $0x9;
	_ =	strace $0x80000048  }
0xb5: {  	_ =	swait.ge [sflag:s29], $0x1  }
0xb6: {  	[sflag:s29] =	ssyncadd.s32 $0xFFFFFFFF  }
0xb7: {  	_ =	strace $0x90000048  }
0xb8: {  	_ =	sfence  }
0xb9: {  	s30 =	sld [smem:$0x0];
	_ =	sdelay $0x2  }
0xba: {  	s31 =	sshll.u32 s1, $0xD;
	s1 =	sshrl.u32 s1, $0x2  }
0xbb: {  	s3 =	sand.u32 $0x4000, s31;
	s1 =	sadd.s32 s1, s30  }
0xbc: {  	s0 =	sor.u32 s3, s0;
	s1 =	sshll.u32 s1, $0x11  }
0xbd: {  	s0 =	sor.u32 s1, s0  }
0xbe: {  	s0 =	sadd.s32 $0x8F2B, s0  }
0xbf: {  	[sflag:s0] =	ssyncadd.remote.s32 $0x1  }
0xc0: {  	_ =	sfence.sel $0xFFFF  }
0xc1: {  	[dreg:$0x0] =	wrdreg $0xFFFFFFFF;
	(pc) =	sbr.abs _section_cstart, $3  }
0xc2: {  	[dreg:$0x1] =	wrdreg $0xFFFFFFFF  }
0xc3: {  	_ =	task.clear_ibuf [dreg:s8], $0x2FFFF;
	_ =	strace $0x9FFFFFFF  }
0xc4: {  	(tm) =	ssettm $0x7FFFFFFF  }
0xc5: {  	_ =	shalt  }
tec
execute0_lowered:
.L_overlay_start_1:
0x0: {  	(tag) =	ssettag $0x1  }
0x1: {  	s3 =	rddreg [dreg:$0x0]  }
0x2: {  	s5 =	rddreg [dreg:$0x1]  }
0x3: {  	s6 =	rddreg [dreg:$0x2]  }
0x4: {  	s0 =	rddreg [dreg:$0x3];
	s4 =	srdreg.scid  }
0x5: {  	s1 =	stileid.u32;
	s2 =	simm.s32 $0x0;
	s12 =	simm.s32 $0x9E00  }
0x6: {  	s13 =	simm.s32 $0x80;
	s14 =	simm.s32 $0x400;
	s15 =	simm.s32 $0x2  }
0x7: {  	s16 =	simm.s32 $0x7680;
	s17 =	simm.s32 $0x0;
	s4 =	sand.u32 $0x1, s4  }
0x8: {  	s7 =	sshll.u32 s1, $0x1;
	[smem:$0x7FF] =	sst s2;
	s9 =	sshrl.u32 s1, $0x2  }
0x9: {  	s7 =	sor.u32 s4, s7;
	s4 =	ssub.s32 $0x2, s4;
	s9 =	smul.u32 $0x14000, s9  }
0xa: {  	s8 =	smul.u32 $0x4E2, s7;
	s7 =	sshll.u32 s7, $0x7;
	s31 =	sshrl.u32 s4, $0x1  }
0xb: {  	_ =	strace $0x80000047;
	s7 =	sand.u32 $0x380, s7;
	s11 =	ssub.s32 s4, s31  }
0xc: {  	s10 =	sadd.s32 s8, s3;
	s7 =	sor.u32 s9, s7;
	s5 =	sadd.s32 s5, s8  }
0xd: {  	s8 =	smax.u32 s11, $0x1;
	s9 =	simm.s32 $0x2780;
	s11 =	simm.s32 $0x1  }
0xe: {  	s3 =	sadd.s32 $0xCC00, s10;
	s4 =	sadd.s32 $0x2E00, s10;
	s7 =	sshrl.u32 s7, $0x3  }
0xf: {  	v0 =	vimm.f32 $0.0e+00;
	s6 =	sadd.s32 s6, s7;
	s7 =	sadd.s32 $0x16A00, s10;
	s10 =	simm.s32 $0x4F00  }
.LBB2_1:
0x10: {  	[tilespmem:s2], [sflag:$0x1] =	stream.linear.gather [hbm4b:s3+s2], $0x2710, $0x38;
	[tilespmem:$0xC600] =	vst v63  }
0x11: {  	_ = 	snop  }
0x12: {  	[tilespmem:s9], [sflag:$0x1] =	stream.linear.gather [hbm4b:s4+s2], $0x2710, $0x38;
	[tilespmem:$0xC600] =	vst v63  }
0x13: {  	s18 =	simm.s32 $0x40;
	s19 =	simm.s32 $0x0  }
0x14: {  	[tilespmem:s10], [sflag:$0x1] =	stream.linear.gather [hbm4b:s5+s2], $0x2710, $0x38;
	[tilespmem:$0xC600] =	vst v63  }
.LBB2_2:
0x15: {  	p0 =	sne.s32 s18, $0x9FC0;
	[tilespmem:s19+$0x9E00] =	vst v0;
	s19 =	smov.u32 s18;
	s18 =	sadd.s32 $0x40, s18  }
.Ltmp0:
0x16: {  	(pc) =	sbr.rel @p0 .LBB2_2-.Ltmp0, $2  }
0x17: {  	_ =	sdelay $0x2  }
0x18: {  	s19 =	sshra.s32 s19, $0x2  }
0x19: {  	[tilespmem:s19+$0x9E00] =	vst v0  }
0x1a: {  	_ =	swait.ge [sflag:s11], $0x2710  }
0x1b: {  	[sflag:s11] =	ssyncset.done $0x0  }
0x1c: {  	[sflag:s11] =	ssyncadd.s32 $0xFFFFD8F0  }
0x1d: {  	_ =	swait.ge [sflag:s11], $0x2710  }
0x1e: {  	[sflag:s11] =	ssyncset.done $0x0  }
0x1f: {  	[sflag:s11] =	ssyncadd.s32 $0xFFFFD8F0  }
0x20: {  	_ =	swait.ge [sflag:s11], $0x2710  }
0x21: {  	[sflag:s11] =	ssyncset.done $0x0  }
0x22: {  	s19 =	simm.s32 $0x0;
	[sflag:s11] =	ssyncadd.s32 $0xFFFFD8F0  }
0x23: {  	v2 =	vld [tilespmem:s19+$0x2780];
	_ =	sdelay $0x2  }
0x24: {  	v1 =	vld [tilespmem:s19+$0x4F00];
	_ =	sdelay $0x4  }
0x25: {  	s18 =	simm.s32 $0x10;
	[tilespmem:v2+s12+$0x0] =	vst.idx.add.f32.msk $0xffff, v1  }
0x26: {  	v1 =	vld [tilespmem:s18+$0x2780]  }
0x27: {  	v4 =	vld [tilespmem:s19+$0x0];
	_ =	sdelay $0x1  }
0x28: {  	v3 =	vld [tilespmem:s18+$0x4F00];
	_ =	sdelay $0x1  }
0x29: {  	s20 =	simm.s32 $0x80;
	v5 =	vshll.u32 v2, $0x10;
	v2 =	vmov v1  }
.LBB2_4:
0x2a: {  	p0 =	sne.s32 s20, $0x9C00;
	v4 =	vor.u32 v5, v4;
	s21 =	smov.u32 s20;
	s20 =	sadd.s32 $0x40, s20  }
0x2b: {  	[tilespmem:s19+$0x7680] =	vst v4;
	s19 =	smov.u32 s18  }
0x2c: {  	s18 =	sshra.s32 s21, $0x2;
	[tilespmem:v1+s12+$0x0] =	vst.idx.add.f32.msk $0xffff, v3  }
0x2d: {  	v1 =	vld [tilespmem:s18+$0x2780]  }
.Ltmp1:
0x2e: {  	v4 =	vld [tilespmem:s19+$0x0];
	(pc) =	sbr.rel @p0 .LBB2_4-.Ltmp1, $4  }
0x2f: {  	_ = 	snop  }
0x30: {  	v3 =	vld [tilespmem:s18+$0x4F00]  }
0x31: {  	v5 =	vshll.u32 v2, $0x10  }
0x32: {  	v2 =	vmov v1  }
0x33: {  	_ =	sdelay $0x1  }
0x34: {  	v4 =	vor.u32 v5, v4  }
0x35: {  	[tilespmem:s19+$0x7680] =	vst v4  }
0x36: {  	[tilespmem:v1+s12+$0x0] =	vst.idx.add.f32.msk $0xffff, v3  }
0x37: {  	v1 =	vld [tilespmem:s18+$0x0];
	_ =	sdelay $0x3  }
0x38: {  	v2 =	vshll.u32 v2, $0x10  }
0x39: {  	v1 =	vor.u32 v2, v1  }
0x3a: {  	[tilespmem:s18+$0x7680] =	vst v1  }
0x3b: {  	[hbm4b:s6+s13] =	stream.strided.scatter [tilespmem:s12], [sflag:$0x2], $0x2800, s14, s13, $0x38;
	[tilespmem:$0xC600] =	vst v63  }
0x3c: {  	s17 =	sadd.s32 $0x1, s17;
	_ =	swait.ge [sflag:s15], $0x2800  }
0x3d: {  	p0 =	sne.s32 s17, s8;
	[sflag:s15] =	ssyncset.done $0x0  }
.Ltmp2:
0x3e: {  	[sflag:s15] =	ssyncadd.s32 $0xFFFFD800;
	(pc) =	sbr.rel @p0 .LBB2_1-.Ltmp2, $4  }
0x3f: {  	[hbm4b:s7+s2] =	stream.linear.scatter [tilespmem:s16], [sflag:$0x2], $0x2710, $0x38;
	[tilespmem:$0xC600] =	vst v63  }
0x40: {  	_ =	swait.ge [sflag:s15], $0x2710  }
0x41: {  	[sflag:s15] =	ssyncset.done $0x0  }
0x42: {  	[sflag:s15] =	ssyncadd.s32 $0xFFFFD8F0  }
0x43: {  	_ =	sfence.sel $0x180000  }
0x44: {  	[bflag:$0x0] =	sbarrier.arrive $0xFFFF  }
0x45: {  	p0 =	sne.s32 s1, $0x0;
	_ =	strace $0x90000047  }
0x46: {  	s0 =	sadd.s32 @!p0 $0x100000, s0;
	[bflag:$0x2] =	sbarrier.arrive $0xFFFF  }
0x47: {  	[sflag:s0] =	ssyncadd.tile.s32 @!p0 $0x1;
	_ =	shalt  }
.Lfunc_end2:
_tile_overlayer_lowered:
.L_overlay_start_2:
0x48: {  	(tag) =	ssettag $0x2  }
0x49: {  	s0 =	rddreg [dreg:$0x0];
	s2 =	stileid.u32  }
0x4a: {  	s1 =	rddreg [dreg:$0x1];
	p0 =	sne.s32 s2, $0x0  }
0x4b: {  	s3 =	rddreg [dreg:$0x2];
	[bflag:$0x3] =	sbarrier.arrive $0xFFFF;
	s2 =	simm.s32 @!p0 $0x1C02  }
0x4c: {  	[timem:s3], [sflag:s2] =	dma.local @!p0 [hbm:s0], s1  }
0x4d: {  	s0 =	simm.s32 @!p0 $0x2  }
0x4e: {  	_ =	swait.ge @!p0 [sflag:s0], s1  }
0x4f: {  	s1 =	ssub.s32 @!p0 $0x0, s1;
	[sflag:s0] =	ssyncset.done @!p0 $0x0  }
0x50: {  	[sflag:s0] =	ssyncadd.s32 @!p0 s1  }
0x51: {  	[bflag:$0x3] =	sbarrier.arrive $0xFFFF  }
0x52: {  	_ =	shalt  }

</sc_bundles>
